<compile_context>
chip_gen: v7x
topology: tpu7x:2x2x1
jax: 0.10.2.dev20260603
libtpu: 0.0.44.dev20260713+nightly
codegen_flags: <defaults>
</compile_context>

<pallas_src>
import functools

import jax
import jax.numpy as jnp
from jax import lax
from jax.experimental import pallas as pl
from jax.experimental.pallas import tpu as pltpu
from jax.experimental.pallas import tpu_sc as plsc

T = 2048
H = 768
E = 64
F = 384
TB = 128
C = 64
TP = 2560

NC, NS = 2, 16
NW = NC * NS
BPW = T // NW


def _routing_body(x_ref, g_ref, pos_ref, offs_ref, cnt_ref):
    x = x_ref[...]
    g = g_ref[...]
    logits = lax.dot_general(x, g, (((1,), (1,)), ((), ())),
                             preferred_element_type=jnp.float32)
    m = jnp.max(logits, axis=1, keepdims=True)
    eids = lax.broadcasted_iota(jnp.int32, (T, E), 1)
    e_first = jnp.min(jnp.where(logits == m, eids, E), axis=1, keepdims=True)
    onehot = (eids == e_first).astype(jnp.float32)

    counts = jnp.sum(onehot, axis=0, keepdims=True)
    counts_a = jnp.floor((counts + 7.0) * 0.125) * 8.0
    er = lax.broadcasted_iota(jnp.int32, (E, E), 0)
    ec = lax.broadcasted_iota(jnp.int32, (E, E), 1)
    strict_lower_e = (er < ec).astype(jnp.float32)
    offs = lax.dot_general(counts_a, strict_lower_e, (((1,), (0,)), ((), ())),
                           preferred_element_type=jnp.float32)

    rr = lax.broadcasted_iota(jnp.int32, (TB, TB), 0)
    rc = lax.broadcasted_iota(jnp.int32, (TB, TB), 1)
    strict_lower_t = (rc < rr).astype(jnp.bfloat16)

    base = jnp.zeros((1, E), jnp.float32)
    for i in range(T // TB):
        ob = onehot[i * TB:(i + 1) * TB, :]
        csb = lax.dot_general(strict_lower_t, ob.astype(jnp.bfloat16),
                              (((1,), (0,)), ((), ())),
                              preferred_element_type=jnp.float32)
        posb = jnp.sum((csb + base + offs) * ob, axis=1)
        pos_ref[i, :] = posb.astype(jnp.int32)
        base = base + jnp.sum(ob, axis=0, keepdims=True)

    offs_ref[...] = offs.astype(jnp.int32)
    cnt_ref[...] = counts.astype(jnp.int32)


_routing_call = pl.pallas_call(
    _routing_body,
    out_shape=(
        jax.ShapeDtypeStruct((T // TB, TB), jnp.int32),
        jax.ShapeDtypeStruct((1, E), jnp.int32),
        jax.ShapeDtypeStruct((1, E), jnp.int32),
    ),
)


@functools.cache
def _sc_row_gather_kernel(n_out):
    bpw = n_out // NW

    def body(src_hbm, idx_hbm, out_hbm, idx_v, rows_v, sem):
        wid = lax.axis_index("s") * NC + lax.axis_index("c")
        base = wid * bpw
        pltpu.sync_copy(idx_hbm.at[pl.ds(base, bpw)], idx_v)
        pltpu.async_copy(src_hbm.at[idx_v], rows_v, sem).wait()
        pltpu.sync_copy(rows_v, out_hbm.at[pl.ds(base, bpw)])

    return pl.kernel(
        body,
        mesh=plsc.VectorSubcoreMesh(core_axis_name="c", subcore_axis_name="s"),
        out_type=jax.ShapeDtypeStruct((n_out, H), jnp.float32),
        scratch_types=[
            pltpu.VMEM((bpw,), jnp.int32),
            pltpu.VMEM((bpw, H), jnp.float32),
            pltpu.SemaphoreType.DMA,
        ],
    )


def _sc_row_gather(src, idx):
    return _sc_row_gather_kernel(idx.shape[0])(src, idx)


@functools.cache
def _sc_row_scatter_kernel():
    bpw = T // NW

    def body(src_hbm, idx_hbm, out_hbm, idx_v, rows_v, sem):
        wid = lax.axis_index("s") * NC + lax.axis_index("c")
        base = wid * bpw
        pltpu.sync_copy(idx_hbm.at[pl.ds(base, bpw)], idx_v)
        pltpu.sync_copy(src_hbm.at[pl.ds(base, bpw)], rows_v)
        pltpu.async_copy(rows_v, out_hbm.at[idx_v], sem).wait()

    return pl.kernel(
        body,
        mesh=plsc.VectorSubcoreMesh(core_axis_name="c", subcore_axis_name="s"),
        out_type=jax.ShapeDtypeStruct((TP, H), jnp.float32),
        scratch_types=[
            pltpu.VMEM((bpw,), jnp.int32),
            pltpu.VMEM((bpw, H), jnp.float32),
            pltpu.SemaphoreType.DMA,
        ],
    )


G = 4


def _moe_body(offs_ref, cnt_ref, xs_ref, w1_ref, w3_ref, w2_ref, ys_ref):
  for j in range(G):
    e = pl.program_id(0) * G + j
    offs = offs_ref[e]
    n = cnt_ref[e]
    w13 = jnp.concatenate(
        [w1_ref[j], w3_ref[j]], axis=0).astype(jnp.bfloat16)
    w2 = w2_ref[j].astype(jnp.bfloat16)

    def chunk(c, carry):
        start = pl.multiple_of(jnp.minimum(offs + c * C, TP - C), 8)
        xa = xs_ref[pl.ds(start, C), :].astype(jnp.bfloat16)
        h13 = lax.dot_general(xa, w13, (((1,), (1,)), ((), ())),
                              preferred_element_type=jnp.float32)
        h1 = h13[:, :F]
        h3 = h13[:, F:]
        act = ((h1 * lax.logistic(h1)) * h3).astype(jnp.bfloat16)
        y = lax.dot_general(act, w2, (((1,), (1,)), ((), ())),
                            preferred_element_type=jnp.float32)
        gr = start + lax.broadcasted_iota(jnp.int32, (C, 1), 0)
        mask = (gr >= offs) & (gr < offs + n)
        old = ys_ref[pl.ds(start, C), :]
        ys_ref[pl.ds(start, C), :] = jnp.where(mask, y, old)
        return carry

    nch = (n + C - 1) // C
    lax.fori_loop(0, nch, chunk, 0)


_moe_call = pl.pallas_call(
    _moe_body,
    grid_spec=pltpu.PrefetchScalarGridSpec(
        num_scalar_prefetch=2,
        grid=(E // G,),
        in_specs=[
            pl.BlockSpec((TP, H), lambda e, o, c: (0, 0)),
            pl.BlockSpec((G, F, H), lambda e, o, c: (e, 0, 0)),
            pl.BlockSpec((G, F, H), lambda e, o, c: (e, 0, 0)),
            pl.BlockSpec((G, H, F), lambda e, o, c: (e, 0, 0)),
        ],
        out_specs=pl.BlockSpec((TP, H), lambda e, o, c: (0, 0)),
    ),
    out_shape=jax.ShapeDtypeStruct((TP, H), jnp.float32),
    compiler_params=pltpu.CompilerParams(
        dimension_semantics=("arbitrary",),
    ),
)


def kernel(hidden_states, gate_weight, w1, w3, w2):
    x = hidden_states.reshape(-1, H)
    pos2d, offs2, cnt2 = _routing_call(x, gate_weight)
    pos = pos2d.reshape(T)
    offs = offs2.reshape(E)
    cnt = cnt2.reshape(E)
    xs = _sc_row_scatter_kernel()(x, pos)
    ys = _moe_call(offs, cnt, xs, w1, w3, w2)
    out = _sc_row_gather(ys, pos)
    return out

# --- scband reference (transcript-rebuilt; emitter-appended) ---
"""Pipeline reference for scband-qwen3-moe-sparse-moe-block-24833500906102 (READ-ONLY COPY).

The authoritative reference and input builder live on the scoring server;
editing this copy changes nothing except your own understanding.
"""

import jax, jax.numpy as jnp
import numpy as np

NUM_EXPERTS = 64
TOP_K = 1
HIDDEN = 768
FFN = 384
TOKENS = 2048


def setup_inputs(seed: int = 0) -> dict:
    key = jax.random.key(seed)
    k1, k2, k3, k4, k5 = jax.random.split(key, 5)
    hidden_states = jax.random.normal(k1, (TOKENS, HIDDEN), dtype=jnp.float32)
    gate_weight = jax.random.normal(k2, (NUM_EXPERTS, HIDDEN), dtype=jnp.float32) * 0.02
    w1 = jax.random.normal(k3, (NUM_EXPERTS, FFN, HIDDEN), dtype=jnp.float32) * 0.02
    w3 = jax.random.normal(k4, (NUM_EXPERTS, FFN, HIDDEN), dtype=jnp.float32) * 0.02
    w2 = jax.random.normal(k5, (NUM_EXPERTS, HIDDEN, FFN), dtype=jnp.float32) * 0.02
    return {"hidden_states": hidden_states, "gate_weight": gate_weight, "w1": w1, "w3": w3, "w2": w2}


def reference(hidden_states, gate_weight, w1, w3, w2):
    x = hidden_states.reshape(-1, HIDDEN)
    num_tokens = x.shape[0]
    # ReplicatedLinear gate (no bias)
    router_logits = x @ gate_weight.T  # [T, E]
    # FusedMoE with RoutingMethodType.Renormalize: softmax -> top_k -> renormalize
    routing_probs = jax.nn.softmax(router_logits.astype(jnp.float32), axis=-1)
    topk_w, topk_idx = jax.lax.top_k(routing_probs, TOP_K)  # [T, K]
    # norm_topk_prob=True -> renormalize the selected probabilities
    topk_w = topk_w / jnp.sum(topk_w, axis=-1, keepdims=True)
    # scatter selected weights into dense combine matrix [T, E]
    combine = jnp.zeros((num_tokens, NUM_EXPERTS), dtype=x.dtype)
    combine = combine.at[jnp.arange(num_tokens)[:, None], topk_idx].add(topk_w.astype(x.dtype))
    # expert SwiGLU MLPs: down( silu(x @ w1^T) * (x @ w3^T) )
    h1 = jnp.einsum('td,efd->tef', x, w1)
    h3 = jnp.einsum('td,efd->tef', x, w3)
    act = jax.nn.silu(h1) * h3
    expert_out = jnp.einsum('tef,edf->ted', act, w2)
    # weighted combine over experts (non-selected experts have zero weight)
    final_hidden_states = jnp.einsum('te,ted->td', combine, expert_out)
    return final_hidden_states

if __name__ == "__main__":
    import jax
    _d = setup_inputs()
    print(jax.jit(kernel)(*tuple(_d.values())))

</pallas_src>

<mosaic_0001>
#map = affine_map<(d0, d1) -> (0, 0)>
#map1 = affine_map<(d0, d1) -> (0)>
module attributes {stable_mosaic.version = 14 : i64} {
  func.func @body(%arg0: i32, %arg1: i32, %arg2: memref<2560x768xf32, #tpu.memory_space<hbm>>, %arg3: memref<2048xi32, #tpu.memory_space<hbm>>, %arg4: memref<2048x768xf32, #tpu.memory_space<hbm>>, %arg5: memref<64xi32, #tpu.memory_space<vmem>>, %arg6: memref<64x768xf32, #tpu.memory_space<vmem>>, %arg7: memref<!tpu.dma_semaphore, #tpu.memory_space<semaphore_mem>>) attributes {dimension_semantics = [#tpu.dimension_semantics<core_parallel>, #tpu.dimension_semantics<subcore_parallel>], iteration_bounds = array<i64: 2, 16>, scalar_prefetch = 0 : i64, scratch_operands = 3 : i64, tpu.core_type = #tpu.core_type<sc_vector_subcore>, window_params = [{transform_indices = #map}, {transform_indices = #map1}, {transform_indices = #map}]} {
    %mul3A = arith.constant 2 : i32
    %mul3A_0 = arith.muli %arg1, %mul3A : i32
    %add3A = arith.addi %mul3A_0, %arg0 : i32
    %mul3A_1 = arith.constant 64 : i32
    %mul3A_2 = arith.muli %add3A, %mul3A_1 : i32
    "tpu.region"() ({
      %run_scoped3A = tpu.sem_alloc : memref<!tpu.dma_semaphore, #tpu.memory_space<semaphore_mem>>
      %dma_start3A_7 = tpu.memref_slice %arg3[%mul3A_2] : memref<2048xi32, #tpu.memory_space<hbm>> -> memref<64xi32, #tpu.memory_space<hbm>>
      %dma_start3A_8 = tpu.memref_slice %arg3[%mul3A_2] : memref<2048xi32, #tpu.memory_space<hbm>> -> memref<64xi32, #tpu.memory_space<hbm>>
      tpu.enqueue_dma source(%dma_start3A_8 : memref<64xi32, #tpu.memory_space<hbm>>) target(%arg5 : memref<64xi32, #tpu.memory_space<vmem>>) target_semaphore(%run_scoped3A : memref<!tpu.dma_semaphore, #tpu.memory_space<semaphore_mem>>)
      %dma_wait3A_9 = tpu.memref_slice %arg3[%mul3A_2] : memref<2048xi32, #tpu.memory_space<hbm>> -> memref<64xi32, #tpu.memory_space<hbm>>
      %dma_wait3A_10 = tpu.memref_slice %arg3[%mul3A_2] : memref<2048xi32, #tpu.memory_space<hbm>> -> memref<64xi32, #tpu.memory_space<hbm>>
      tpu.wait_dma2 semaphore(%run_scoped3A : memref<!tpu.dma_semaphore, #tpu.memory_space<semaphore_mem>>) src(%dma_wait3A_10 : memref<64xi32, #tpu.memory_space<hbm>>) dst(%arg5 : memref<64xi32, #tpu.memory_space<vmem>>)
      tpu.yield
    }) : () -> ()
    %dma_start3A = arith.constant 0 : i32
    %dma_start3A_3 = arith.constant 0 : i32
    %dma_start3A_4 = tpu.memref_slice %arg2[%dma_start3A, %dma_start3A_3] : memref<2560x768xf32, #tpu.memory_space<hbm>> -> memref<2560x768xf32, #tpu.memory_space<hbm>>
    tpu.enqueue_indirect_dma source(%dma_start3A_4 : memref<2560x768xf32, #tpu.memory_space<hbm>>) target(%arg6 : memref<64x768xf32, #tpu.memory_space<vmem>>) offsets(%arg5 : memref<64xi32, #tpu.memory_space<vmem>>) semaphore(%arg7 : memref<!tpu.dma_semaphore, #tpu.memory_space<semaphore_mem>>)
    %dma_wait3A = arith.constant 0 : i32
    %dma_wait3A_5 = arith.constant 0 : i32
    %dma_wait3A_6 = tpu.memref_slice %arg2[%dma_wait3A, %dma_wait3A_5] : memref<2560x768xf32, #tpu.memory_space<hbm>> -> memref<2560x768xf32, #tpu.memory_space<hbm>>
    tpu.wait_indirect_dma semaphore(%arg7 : memref<!tpu.dma_semaphore, #tpu.memory_space<semaphore_mem>>) src(%dma_wait3A_6 : memref<2560x768xf32, #tpu.memory_space<hbm>>) dst(%arg6 : memref<64x768xf32, #tpu.memory_space<vmem>>)
    "tpu.region"() ({
      %run_scoped3A = tpu.sem_alloc : memref<!tpu.dma_semaphore, #tpu.memory_space<semaphore_mem>>
      %dma_start3A_7 = arith.constant 0 : i32
      %dma_start3A_8 = tpu.memref_slice %arg4[%mul3A_2, %dma_start3A_7] : memref<2048x768xf32, #tpu.memory_space<hbm>> -> memref<64x768xf32, #tpu.memory_space<hbm>>
      %dma_start3A_9 = arith.constant 0 : i32
      %dma_start3A_10 = tpu.memref_slice %arg4[%mul3A_2, %dma_start3A_9] : memref<2048x768xf32, #tpu.memory_space<hbm>> -> memref<64x768xf32, #tpu.memory_space<hbm>>
      tpu.enqueue_dma source(%arg6 : memref<64x768xf32, #tpu.memory_space<vmem>>) target(%dma_start3A_10 : memref<64x768xf32, #tpu.memory_space<hbm>>) target_semaphore(%run_scoped3A : memref<!tpu.dma_semaphore, #tpu.memory_space<semaphore_mem>>)
      %dma_wait3A_11 = arith.constant 0 : i32
      %dma_wait3A_12 = tpu.memref_slice %arg4[%mul3A_2, %dma_wait3A_11] : memref<2048x768xf32, #tpu.memory_space<hbm>> -> memref<64x768xf32, #tpu.memory_space<hbm>>
      %dma_wait3A_13 = arith.constant 0 : i32
      %dma_wait3A_14 = tpu.memref_slice %arg4[%mul3A_2, %dma_wait3A_13] : memref<2048x768xf32, #tpu.memory_space<hbm>> -> memref<64x768xf32, #tpu.memory_space<hbm>>
      tpu.wait_dma2 semaphore(%run_scoped3A : memref<!tpu.dma_semaphore, #tpu.memory_space<semaphore_mem>>) src(%arg6 : memref<64x768xf32, #tpu.memory_space<vmem>>) dst(%dma_wait3A_14 : memref<64x768xf32, #tpu.memory_space<hbm>>)
      tpu.yield
    }) : () -> ()
    return
  }
}

#map = affine_map<(d0, d1) -> (0, 0)>
#map1 = affine_map<(d0, d1) -> (0)>
module attributes {stable_mosaic.version = 14 : i64} {
  func.func @body(%arg0: i32, %arg1: i32, %arg2: memref<2048x768xf32, #tpu.memory_space<hbm>>, %arg3: memref<2048xi32, #tpu.memory_space<hbm>>, %arg4: memref<2560x768xf32, #tpu.memory_space<hbm>>, %arg5: memref<64xi32, #tpu.memory_space<vmem>>, %arg6: memref<64x768xf32, #tpu.memory_space<vmem>>, %arg7: memref<!tpu.dma_semaphore, #tpu.memory_space<semaphore_mem>>) attributes {dimension_semantics = [#tpu.dimension_semantics<core_parallel>, #tpu.dimension_semantics<subcore_parallel>], iteration_bounds = array<i64: 2, 16>, scalar_prefetch = 0 : i64, scratch_operands = 3 : i64, tpu.core_type = #tpu.core_type<sc_vector_subcore>, window_params = [{transform_indices = #map}, {transform_indices = #map1}, {transform_indices = #map}]} {
    %mul3A = arith.constant 2 : i32
    %mul3A_0 = arith.muli %arg1, %mul3A : i32
    %add3A = arith.addi %mul3A_0, %arg0 : i32
    %mul3A_1 = arith.constant 64 : i32
    %mul3A_2 = arith.muli %add3A, %mul3A_1 : i32
    "tpu.region"() ({
      %run_scoped3A = tpu.sem_alloc : memref<!tpu.dma_semaphore, #tpu.memory_space<semaphore_mem>>
      %dma_start3A_7 = tpu.memref_slice %arg3[%mul3A_2] : memref<2048xi32, #tpu.memory_space<hbm>> -> memref<64xi32, #tpu.memory_space<hbm>>
      %dma_start3A_8 = tpu.memref_slice %arg3[%mul3A_2] : memref<2048xi32, #tpu.memory_space<hbm>> -> memref<64xi32, #tpu.memory_space<hbm>>
      tpu.enqueue_dma source(%dma_start3A_8 : memref<64xi32, #tpu.memory_space<hbm>>) target(%arg5 : memref<64xi32, #tpu.memory_space<vmem>>) target_semaphore(%run_scoped3A : memref<!tpu.dma_semaphore, #tpu.memory_space<semaphore_mem>>)
      %dma_wait3A_9 = tpu.memref_slice %arg3[%mul3A_2] : memref<2048xi32, #tpu.memory_space<hbm>> -> memref<64xi32, #tpu.memory_space<hbm>>
      %dma_wait3A_10 = tpu.memref_slice %arg3[%mul3A_2] : memref<2048xi32, #tpu.memory_space<hbm>> -> memref<64xi32, #tpu.memory_space<hbm>>
      tpu.wait_dma2 semaphore(%run_scoped3A : memref<!tpu.dma_semaphore, #tpu.memory_space<semaphore_mem>>) src(%dma_wait3A_10 : memref<64xi32, #tpu.memory_space<hbm>>) dst(%arg5 : memref<64xi32, #tpu.memory_space<vmem>>)
      tpu.yield
    }) : () -> ()
    "tpu.region"() ({
      %run_scoped3A = tpu.sem_alloc : memref<!tpu.dma_semaphore, #tpu.memory_space<semaphore_mem>>
      %dma_start3A_7 = arith.constant 0 : i32
      %dma_start3A_8 = tpu.memref_slice %arg2[%mul3A_2, %dma_start3A_7] : memref<2048x768xf32, #tpu.memory_space<hbm>> -> memref<64x768xf32, #tpu.memory_space<hbm>>
      %dma_start3A_9 = arith.constant 0 : i32
      %dma_start3A_10 = tpu.memref_slice %arg2[%mul3A_2, %dma_start3A_9] : memref<2048x768xf32, #tpu.memory_space<hbm>> -> memref<64x768xf32, #tpu.memory_space<hbm>>
      tpu.enqueue_dma source(%dma_start3A_10 : memref<64x768xf32, #tpu.memory_space<hbm>>) target(%arg6 : memref<64x768xf32, #tpu.memory_space<vmem>>) target_semaphore(%run_scoped3A : memref<!tpu.dma_semaphore, #tpu.memory_space<semaphore_mem>>)
      %dma_wait3A_11 = arith.constant 0 : i32
      %dma_wait3A_12 = tpu.memref_slice %arg2[%mul3A_2, %dma_wait3A_11] : memref<2048x768xf32, #tpu.memory_space<hbm>> -> memref<64x768xf32, #tpu.memory_space<hbm>>
      %dma_wait3A_13 = arith.constant 0 : i32
      %dma_wait3A_14 = tpu.memref_slice %arg2[%mul3A_2, %dma_wait3A_13] : memref<2048x768xf32, #tpu.memory_space<hbm>> -> memref<64x768xf32, #tpu.memory_space<hbm>>
      tpu.wait_dma2 semaphore(%run_scoped3A : memref<!tpu.dma_semaphore, #tpu.memory_space<semaphore_mem>>) src(%dma_wait3A_14 : memref<64x768xf32, #tpu.memory_space<hbm>>) dst(%arg6 : memref<64x768xf32, #tpu.memory_space<vmem>>)
      tpu.yield
    }) : () -> ()
    %dma_start3A = arith.constant 0 : i32
    %dma_start3A_3 = arith.constant 0 : i32
    %dma_start3A_4 = tpu.memref_slice %arg4[%dma_start3A, %dma_start3A_3] : memref<2560x768xf32, #tpu.memory_space<hbm>> -> memref<2560x768xf32, #tpu.memory_space<hbm>>
    tpu.enqueue_indirect_dma source(%arg6 : memref<64x768xf32, #tpu.memory_space<vmem>>) target(%dma_start3A_4 : memref<2560x768xf32, #tpu.memory_space<hbm>>) offsets(%arg5 : memref<64xi32, #tpu.memory_space<vmem>>) semaphore(%arg7 : memref<!tpu.dma_semaphore, #tpu.memory_space<semaphore_mem>>)
    %dma_wait3A = arith.constant 0 : i32
    %dma_wait3A_5 = arith.constant 0 : i32
    %dma_wait3A_6 = tpu.memref_slice %arg4[%dma_wait3A, %dma_wait3A_5] : memref<2560x768xf32, #tpu.memory_space<hbm>> -> memref<2560x768xf32, #tpu.memory_space<hbm>>
    tpu.wait_indirect_dma semaphore(%arg7 : memref<!tpu.dma_semaphore, #tpu.memory_space<semaphore_mem>>) src(%arg6 : memref<64x768xf32, #tpu.memory_space<vmem>>) dst(%dma_wait3A_6 : memref<2560x768xf32, #tpu.memory_space<hbm>>)
    return
  }
}

module attributes {stable_mosaic.version = 14 : i64} {
  func.func @_routing_body(%arg0: memref<2048x768xf32, #tpu.memory_space<vmem>>, %arg1: memref<64x768xf32, #tpu.memory_space<vmem>>, %arg2: memref<16x128xi32, #tpu.memory_space<vmem>>, %arg3: memref<1x64xi32, #tpu.memory_space<vmem>>, %arg4: memref<1x64xi32, #tpu.memory_space<vmem>>) attributes {dimension_semantics = [], scalar_prefetch = 0 : i64, scratch_operands = 0 : i64, tpu.core_type = #tpu.core_type<tc>} {
    %get3A = arith.constant 0 : index
    %get3A_0 = arith.constant 0 : index
    %get3A_1 = vector.load %arg0[%get3A, %get3A_0] : memref<2048x768xf32, #tpu.memory_space<vmem>>, vector<2048x768xf32>
    %get3A_2 = arith.constant 0 : index
    %get3A_3 = arith.constant 0 : index
    %get3A_4 = vector.load %arg1[%get3A_2, %get3A_3] : memref<64x768xf32, #tpu.memory_space<vmem>>, vector<64x768xf32>
    %dot_general3A = arith.constant dense<0.000000e+00> : vector<2048x64xf32>
    %dot_general3A_5 = tpu.matmul %get3A_1, %get3A_4, %dot_general3A {dimension_numbers = #tpu.dot_dimension_numbers<[1], [1], [0], [0], [0, 0, 1, 0], [], []>, transpose_lhs_hint = false} : vector<2048x768xf32>, vector<64x768xf32>, vector<2048x64xf32> -> vector<2048x64xf32>
    %reduce_max3A = arith.constant dense<0xFF800000> : vector<2048xf32>
    %reduce_max3A_6 = vector.multi_reduction <maximumf>, %dot_general3A_5, %reduce_max3A [1] : vector<2048x64xf32> to vector<2048xf32>
    %broadcast_in_dim3A = vector.shape_cast %reduce_max3A_6 : vector<2048xf32> to vector<2048x1xf32>
    %iota3A = tpu.iota {dimensions = array<i32: 1>} : vector<2048x64xi32>
    %eq3A = vector.broadcast %broadcast_in_dim3A : vector<2048x1xf32> to vector<2048x64xf32>
    %eq3A_7 = arith.cmpf oeq, %dot_general3A_5, %eq3A : vector<2048x64xf32>
    %jit3A = arith.constant 64 : i32
    %broadcast_in_dim3A_8 = vector.broadcast %jit3A : i32 to vector<2048x64xi32>
    %select_n3A = arith.select %eq3A_7, %iota3A, %broadcast_in_dim3A_8 : vector<2048x64xi1>, vector<2048x64xi32>
    %reduce_min3A = arith.constant dense<2147483647> : vector<2048xi32>
    %reduce_min3A_9 = vector.multi_reduction <minsi>, %select_n3A, %reduce_min3A [1] : vector<2048x64xi32> to vector<2048xi32>
    %broadcast_in_dim3A_10 = vector.shape_cast %reduce_min3A_9 : vector<2048xi32> to vector<2048x1xi32>
    %eq3A_11 = vector.broadcast %broadcast_in_dim3A_10 : vector<2048x1xi32> to vector<2048x64xi32>
    %eq3A_12 = arith.cmpi eq, %iota3A, %eq3A_11 : vector<2048x64xi32>
    %convert_element_type3A = arith.extui %eq3A_12 : vector<2048x64xi1> to vector<2048x64xi32>
    %convert_element_type3A_13 = arith.sitofp %convert_element_type3A : vector<2048x64xi32> to vector<2048x64xf32>
    %reduce_sum3A = arith.constant dense<0.000000e+00> : vector<64xf32>
    %reduce_sum3A_14 = vector.multi_reduction <add>, %convert_element_type3A_13, %reduce_sum3A [0] : vector<2048x64xf32> to vector<64xf32>
    %broadcast_in_dim3A_15 = vector.shape_cast %reduce_sum3A_14 : vector<64xf32> to vector<1x64xf32>
    %add3A = arith.constant 7.000000e+00 : f32
    %add3A_16 = vector.broadcast %add3A : f32 to vector<1x64xf32>
    %add3A_17 = arith.addf %broadcast_in_dim3A_15, %add3A_16 : vector<1x64xf32>
    %mul3A = arith.constant 1.250000e-01 : f32
    %mul3A_18 = vector.broadcast %mul3A : f32 to vector<1x64xf32>
    %mul3A_19 = arith.mulf %add3A_17, %mul3A_18 : vector<1x64xf32>
    %floor3A = math.floor %mul3A_19 : vector<1x64xf32>
    %mul3A_20 = arith.constant 8.000000e+00 : f32
    %mul3A_21 = vector.broadcast %mul3A_20 : f32 to vector<1x64xf32>
    %mul3A_22 = arith.mulf %floor3A, %mul3A_21 : vector<1x64xf32>
    %iota3A_23 = tpu.iota {dimensions = array<i32: 0>} : vector<64x64xi32>
    %iota3A_24 = tpu.iota {dimensions = array<i32: 1>} : vector<64x64xi32>
    %lt3A = arith.cmpi slt, %iota3A_23, %iota3A_24 : vector<64x64xi32>
    %convert_element_type3A_25 = arith.extui %lt3A : vector<64x64xi1> to vector<64x64xi32>
    %convert_element_type3A_26 = arith.sitofp %convert_element_type3A_25 : vector<64x64xi32> to vector<64x64xf32>
    %dot_general3A_27 = arith.constant dense<0.000000e+00> : vector<1x64xf32>
    %dot_general3A_28 = tpu.matmul %mul3A_22, %convert_element_type3A_26, %dot_general3A_27 {dimension_numbers = #tpu.dot_dimension_numbers<[1], [0], [0], [1], [0, 0, 1, 1], [], []>, transpose_lhs_hint = false} : vector<1x64xf32>, vector<64x64xf32>, vector<1x64xf32> -> vector<1x64xf32>
    %iota3A_29 = tpu.iota {dimensions = array<i32: 0>} : vector<128x128xi32>
    %iota3A_30 = tpu.iota {dimensions = array<i32: 1>} : vector<128x128xi32>
    %lt3A_31 = arith.cmpi slt, %iota3A_30, %iota3A_29 : vector<128x128xi32>
    %convert_element_type3A_32 = arith.extui %lt3A_31 : vector<128x128xi1> to vector<128x128xi32>
    %convert_element_type3A_33 = arith.sitofp %convert_element_type3A_32 : vector<128x128xi32> to vector<128x128xf32>
    %convert_element_type3A_34 = arith.truncf %convert_element_type3A_33 : vector<128x128xf32> to vector<128x128xbf16>
    %broadcast_in_dim3A_35 = arith.constant 0.000000e+00 : f32
    %broadcast_in_dim3A_36 = vector.broadcast %broadcast_in_dim3A_35 : f32 to vector<1x64xf32>
    %slice3A = vector.extract_strided_slice %convert_element_type3A_13 {offsets = [0, 0], sizes = [128, 64], strides = [1, 1]} : vector<2048x64xf32> to vector<128x64xf32>
    %convert_element_type3A_37 = arith.truncf %slice3A : vector<128x64xf32> to vector<128x64xbf16>
    %dot_general3A_38 = arith.constant dense<0.000000e+00> : vector<128x64xf32>
    %dot_general3A_39 = tpu.matmul %convert_element_type3A_34, %convert_element_type3A_37, %dot_general3A_38 {dimension_numbers = #tpu.dot_dimension_numbers<[1], [0], [0], [1], [0, 0, 1, 1], [], []>, transpose_lhs_hint = false} : vector<128x128xbf16>, vector<128x64xbf16>, vector<128x64xf32> -> vector<128x64xf32>
    %add3A_40 = vector.broadcast %broadcast_in_dim3A_36 : vector<1x64xf32> to vector<128x64xf32>
    %add3A_41 = arith.addf %dot_general3A_39, %add3A_40 : vector<128x64xf32>
    %add3A_42 = vector.broadcast %dot_general3A_28 : vector<1x64xf32> to vector<128x64xf32>
    %add3A_43 = arith.addf %add3A_41, %add3A_42 : vector<128x64xf32>
    %mul3A_44 = arith.mulf %add3A_43, %slice3A : vector<128x64xf32>
    %reduce_sum3A_45 = arith.constant dense<0.000000e+00> : vector<128xf32>
    %reduce_sum3A_46 = vector.multi_reduction <add>, %mul3A_44, %reduce_sum3A_45 [1] : vector<128x64xf32> to vector<128xf32>
    %convert_element_type3A_47 = arith.fptosi %reduce_sum3A_46 : vector<128xf32> to vector<128xi32>
    %swap3A = arith.constant 0 : index
    %swap3A_48 = arith.constant 0 : index
    %swap3A_49 = vector.load %arg2[%swap3A, %swap3A_48] : memref<16x128xi32, #tpu.memory_space<vmem>>, vector<1x128xi32>
    %swap3A_50 = vector.shape_cast %swap3A_49 : vector<1x128xi32> to vector<128xi32>
    %swap3A_51 = vector.shape_cast %convert_element_type3A_47 : vector<128xi32> to vector<1x128xi32>
    tpu.vector_store %arg2[%swap3A, %swap3A_48], %swap3A_51 {strides = array<i32>} : memref<16x128xi32, #tpu.memory_space<vmem>>, vector<1x128xi32>,
    %reduce_sum3A_52 = arith.constant dense<0.000000e+00> : vector<64xf32>
    %reduce_sum3A_53 = vector.multi_reduction <add>, %slice3A, %reduce_sum3A_52 [0] : vector<128x64xf32> to vector<64xf32>
    %broadcast_in_dim3A_54 = vector.shape_cast %reduce_sum3A_53 : vector<64xf32> to vector<1x64xf32>
    %add3A_55 = arith.addf %broadcast_in_dim3A_36, %broadcast_in_dim3A_54 : vector<1x64xf32>
    %slice3A_56 = vector.extract_strided_slice %convert_element_type3A_13 {offsets = [128, 0], sizes = [128, 64], strides = [1, 1]} : vector<2048x64xf32> to vector<128x64xf32>
    %convert_element_type3A_57 = arith.truncf %slice3A_56 : vector<128x64xf32> to vector<128x64xbf16>
    %dot_general3A_58 = arith.constant dense<0.000000e+00> : vector<128x64xf32>
    %dot_general3A_59 = tpu.matmul %convert_element_type3A_34, %convert_element_type3A_57, %dot_general3A_58 {dimension_numbers = #tpu.dot_dimension_numbers<[1], [0], [0], [1], [0, 0, 1, 1], [], []>, transpose_lhs_hint = false} : vector<128x128xbf16>, vector<128x64xbf16>, vector<128x64xf32> -> vector<128x64xf32>
    %add3A_60 = vector.broadcast %add3A_55 : vector<1x64xf32> to vector<128x64xf32>
    %add3A_61 = arith.addf %dot_general3A_59, %add3A_60 : vector<128x64xf32>
    %add3A_62 = vector.broadcast %dot_general3A_28 : vector<1x64xf32> to vector<128x64xf32>
    %add3A_63 = arith.addf %add3A_61, %add3A_62 : vector<128x64xf32>
    %mul3A_64 = arith.mulf %add3A_63, %slice3A_56 : vector<128x64xf32>
    %reduce_sum3A_65 = arith.constant dense<0.000000e+00> : vector<128xf32>
    %reduce_sum3A_66 = vector.multi_reduction <add>, %mul3A_64, %reduce_sum3A_65 [1] : vector<128x64xf32> to vector<128xf32>
    %convert_element_type3A_67 = arith.fptosi %reduce_sum3A_66 : vector<128xf32> to vector<128xi32>
    %swap3A_68 = arith.constant 1 : index
    %swap3A_69 = arith.constant 0 : index
    %swap3A_70 = vector.load %arg2[%swap3A_68, %swap3A_69] : memref<16x128xi32, #tpu.memory_space<vmem>>, vector<1x128xi32>
    %swap3A_71 = vector.shape_cast %swap3A_70 : vector<1x128xi32> to vector<128xi32>
    %swap3A_72 = vector.shape_cast %convert_element_type3A_67 : vector<128xi32> to vector<1x128xi32>
    tpu.vector_store %arg2[%swap3A_68, %swap3A_69], %swap3A_72 {strides = array<i32>} : memref<16x128xi32, #tpu.memory_space<vmem>>, vector<1x128xi32>,
    %reduce_sum3A_73 = arith.constant dense<0.000000e+00> : vector<64xf32>
    %reduce_sum3A_74 = vector.multi_reduction <add>, %slice3A_56, %reduce_sum3A_73 [0] : vector<128x64xf32> to vector<64xf32>
    %broadcast_in_dim3A_75 = vector.shape_cast %reduce_sum3A_74 : vector<64xf32> to vector<1x64xf32>
    %add3A_76 = arith.addf %add3A_55, %broadcast_in_dim3A_75 : vector<1x64xf32>
    %slice3A_77 = vector.extract_strided_slice %convert_element_type3A_13 {offsets = [256, 0], sizes = [128, 64], strides = [1, 1]} : vector<2048x64xf32> to vector<128x64xf32>
    %convert_element_type3A_78 = arith.truncf %slice3A_77 : vector<128x64xf32> to vector<128x64xbf16>
    %dot_general3A_79 = arith.constant dense<0.000000e+00> : vector<128x64xf32>
    %dot_general3A_80 = tpu.matmul %convert_element_type3A_34, %convert_element_type3A_78, %dot_general3A_79 {dimension_numbers = #tpu.dot_dimension_numbers<[1], [0], [0], [1], [0, 0, 1, 1], [], []>, transpose_lhs_hint = false} : vector<128x128xbf16>, vector<128x64xbf16>, vector<128x64xf32> -> vector<128x64xf32>
    %add3A_81 = vector.broadcast %add3A_76 : vector<1x64xf32> to vector<128x64xf32>
    %add3A_82 = arith.addf %dot_general3A_80, %add3A_81 : vector<128x64xf32>
    %add3A_83 = vector.broadcast %dot_general3A_28 : vector<1x64xf32> to vector<128x64xf32>
    %add3A_84 = arith.addf %add3A_82, %add3A_83 : vector<128x64xf32>
    %mul3A_85 = arith.mulf %add3A_84, %slice3A_77 : vector<128x64xf32>
    %reduce_sum3A_86 = arith.constant dense<0.000000e+00> : vector<128xf32>
    %reduce_sum3A_87 = vector.multi_reduction <add>, %mul3A_85, %reduce_sum3A_86 [1] : vector<128x64xf32> to vector<128xf32>
    %convert_element_type3A_88 = arith.fptosi %reduce_sum3A_87 : vector<128xf32> to vector<128xi32>
    %swap3A_89 = arith.constant 2 : index
    %swap3A_90 = arith.constant 0 : index
    %swap3A_91 = vector.load %arg2[%swap3A_89, %swap3A_90] : memref<16x128xi32, #tpu.memory_space<vmem>>, vector<1x128xi32>
    %swap3A_92 = vector.shape_cast %swap3A_91 : vector<1x128xi32> to vector<128xi32>
    %swap3A_93 = vector.shape_cast %convert_element_type3A_88 : vector<128xi32> to vector<1x128xi32>
    tpu.vector_store %arg2[%swap3A_89, %swap3A_90], %swap3A_93 {strides = array<i32>} : memref<16x128xi32, #tpu.memory_space<vmem>>, vector<1x128xi32>,
    %reduce_sum3A_94 = arith.constant dense<0.000000e+00> : vector<64xf32>
    %reduce_sum3A_95 = vector.multi_reduction <add>, %slice3A_77, %reduce_sum3A_94 [0] : vector<128x64xf32> to vector<64xf32>
    %broadcast_in_dim3A_96 = vector.shape_cast %reduce_sum3A_95 : vector<64xf32> to vector<1x64xf32>
    %add3A_97 = arith.addf %add3A_76, %broadcast_in_dim3A_96 : vector<1x64xf32>
    %slice3A_98 = vector.extract_strided_slice %convert_element_type3A_13 {offsets = [384, 0], sizes = [128, 64], strides = [1, 1]} : vector<2048x64xf32> to vector<128x64xf32>
    %convert_element_type3A_99 = arith.truncf %slice3A_98 : vector<128x64xf32> to vector<128x64xbf16>
    %dot_general3A_100 = arith.constant dense<0.000000e+00> : vector<128x64xf32>
    %dot_general3A_101 = tpu.matmul %convert_element_type3A_34, %convert_element_type3A_99, %dot_general3A_100 {dimension_numbers = #tpu.dot_dimension_numbers<[1], [0], [0], [1], [0, 0, 1, 1], [], []>, transpose_lhs_hint = false} : vector<128x128xbf16>, vector<128x64xbf16>, vector<128x64xf32> -> vector<128x64xf32>
    %add3A_102 = vector.broadcast %add3A_97 : vector<1x64xf32> to vector<128x64xf32>
    %add3A_103 = arith.addf %dot_general3A_101, %add3A_102 : vector<128x64xf32>
    %add3A_104 = vector.broadcast %dot_general3A_28 : vector<1x64xf32> to vector<128x64xf32>
    %add3A_105 = arith.addf %add3A_103, %add3A_104 : vector<128x64xf32>
    %mul3A_106 = arith.mulf %add3A_105, %slice3A_98 : vector<128x64xf32>
    %reduce_sum3A_107 = arith.constant dense<0.000000e+00> : vector<128xf32>
    %reduce_sum3A_108 = vector.multi_reduction <add>, %mul3A_106, %reduce_sum3A_107 [1] : vector<128x64xf32> to vector<128xf32>
    %convert_element_type3A_109 = arith.fptosi %reduce_sum3A_108 : vector<128xf32> to vector<128xi32>
    %swap3A_110 = arith.constant 3 : index
    %swap3A_111 = arith.constant 0 : index
    %swap3A_112 = vector.load %arg2[%swap3A_110, %swap3A_111] : memref<16x128xi32, #tpu.memory_space<vmem>>, vector<1x128xi32>
    %swap3A_113 = vector.shape_cast %swap3A_112 : vector<1x128xi32> to vector<128xi32>
    %swap3A_114 = vector.shape_cast %convert_element_type3A_109 : vector<128xi32> to vector<1x128xi32>
    tpu.vector_store %arg2[%swap3A_110, %swap3A_111], %swap3A_114 {strides = array<i32>} : memref<16x128xi32, #tpu.memory_space<vmem>>, vector<1x128xi32>,
    %reduce_sum3A_115 = arith.constant dense<0.000000e+00> : vector<64xf32>
    %reduce_sum3A_116 = vector.multi_reduction <add>, %slice3A_98, %reduce_sum3A_115 [0] : vector<128x64xf32> to vector<64xf32>
    %broadcast_in_dim3A_117 = vector.shape_cast %reduce_sum3A_116 : vector<64xf32> to vector<1x64xf32>
    %add3A_118 = arith.addf %add3A_97, %broadcast_in_dim3A_117 : vector<1x64xf32>
    %slice3A_119 = vector.extract_strided_slice %convert_element_type3A_13 {offsets = [512, 0], sizes = [128, 64], strides = [1, 1]} : vector<2048x64xf32> to vector<128x64xf32>
    %convert_element_type3A_120 = arith.truncf %slice3A_119 : vector<128x64xf32> to vector<128x64xbf16>
    %dot_general3A_121 = arith.constant dense<0.000000e+00> : vector<128x64xf32>
    %dot_general3A_122 = tpu.matmul %convert_element_type3A_34, %convert_element_type3A_120, %dot_general3A_121 {dimension_numbers = #tpu.dot_dimension_numbers<[1], [0], [0], [1], [0, 0, 1, 1], [], []>, transpose_lhs_hint = false} : vector<128x128xbf16>, vector<128x64xbf16>, vector<128x64xf32> -> vector<128x64xf32>
    %add3A_123 = vector.broadcast %add3A_118 : vector<1x64xf32> to vector<128x64xf32>
    %add3A_124 = arith.addf %dot_general3A_122, %add3A_123 : vector<128x64xf32>
    %add3A_125 = vector.broadcast %dot_general3A_28 : vector<1x64xf32> to vector<128x64xf32>
    %add3A_126 = arith.addf %add3A_124, %add3A_125 : vector<128x64xf32>
    %mul3A_127 = arith.mulf %add3A_126, %slice3A_119 : vector<128x64xf32>
    %reduce_sum3A_128 = arith.constant dense<0.000000e+00> : vector<128xf32>
    %reduce_sum3A_129 = vector.multi_reduction <add>, %mul3A_127, %reduce_sum3A_128 [1] : vector<128x64xf32> to vector<128xf32>
    %convert_element_type3A_130 = arith.fptosi %reduce_sum3A_129 : vector<128xf32> to vector<128xi32>
    %swap3A_131 = arith.constant 4 : index
    %swap3A_132 = arith.constant 0 : index
    %swap3A_133 = vector.load %arg2[%swap3A_131, %swap3A_132] : memref<16x128xi32, #tpu.memory_space<vmem>>, vector<1x128xi32>
    %swap3A_134 = vector.shape_cast %swap3A_133 : vector<1x128xi32> to vector<128xi32>
    %swap3A_135 = vector.shape_cast %convert_element_type3A_130 : vector<128xi32> to vector<1x128xi32>
    tpu.vector_store %arg2[%swap3A_131, %swap3A_132], %swap3A_135 {strides = array<i32>} : memref<16x128xi32, #tpu.memory_space<vmem>>, vector<1x128xi32>,
    %reduce_sum3A_136 = arith.constant dense<0.000000e+00> : vector<64xf32>
    %reduce_sum3A_137 = vector.multi_reduction <add>, %slice3A_119, %reduce_sum3A_136 [0] : vector<128x64xf32> to vector<64xf32>
    %broadcast_in_dim3A_138 = vector.shape_cast %reduce_sum3A_137 : vector<64xf32> to vector<1x64xf32>
    %add3A_139 = arith.addf %add3A_118, %broadcast_in_dim3A_138 : vector<1x64xf32>
    %slice3A_140 = vector.extract_strided_slice %convert_element_type3A_13 {offsets = [640, 0], sizes = [128, 64], strides = [1, 1]} : vector<2048x64xf32> to vector<128x64xf32>
    %convert_element_type3A_141 = arith.truncf %slice3A_140 : vector<128x64xf32> to vector<128x64xbf16>
    %dot_general3A_142 = arith.constant dense<0.000000e+00> : vector<128x64xf32>
    %dot_general3A_143 = tpu.matmul %convert_element_type3A_34, %convert_element_type3A_141, %dot_general3A_142 {dimension_numbers = #tpu.dot_dimension_numbers<[1], [0], [0], [1], [0, 0, 1, 1], [], []>, transpose_lhs_hint = false} : vector<128x128xbf16>, vector<128x64xbf16>, vector<128x64xf32> -> vector<128x64xf32>
    %add3A_144 = vector.broadcast %add3A_139 : vector<1x64xf32> to vector<128x64xf32>
    %add3A_145 = arith.addf %dot_general3A_143, %add3A_144 : vector<128x64xf32>
    %add3A_146 = vector.broadcast %dot_general3A_28 : vector<1x64xf32> to vector<128x64xf32>
    %add3A_147 = arith.addf %add3A_145, %add3A_146 : vector<128x64xf32>
    %mul3A_148 = arith.mulf %add3A_147, %slice3A_140 : vector<128x64xf32>
    %reduce_sum3A_149 = arith.constant dense<0.000000e+00> : vector<128xf32>
    %reduce_sum3A_150 = vector.multi_reduction <add>, %mul3A_148, %reduce_sum3A_149 [1] : vector<128x64xf32> to vector<128xf32>
    %convert_element_type3A_151 = arith.fptosi %reduce_sum3A_150 : vector<128xf32> to vector<128xi32>
    %swap3A_152 = arith.constant 5 : index
    %swap3A_153 = arith.constant 0 : index
    %swap3A_154 = vector.load %arg2[%swap3A_152, %swap3A_153] : memref<16x128xi32, #tpu.memory_space<vmem>>, vector<1x128xi32>
    %swap3A_155 = vector.shape_cast %swap3A_154 : vector<1x128xi32> to vector<128xi32>
    %swap3A_156 = vector.shape_cast %convert_element_type3A_151 : vector<128xi32> to vector<1x128xi32>
    tpu.vector_store %arg2[%swap3A_152, %swap3A_153], %swap3A_156 {strides = array<i32>} : memref<16x128xi32, #tpu.memory_space<vmem>>, vector<1x128xi32>,
    %reduce_sum3A_157 = arith.constant dense<0.000000e+00> : vector<64xf32>
    %reduce_sum3A_158 = vector.multi_reduction <add>, %slice3A_140, %reduce_sum3A_157 [0] : vector<128x64xf32> to vector<64xf32>
    %broadcast_in_dim3A_159 = vector.shape_cast %reduce_sum3A_158 : vector<64xf32> to vector<1x64xf32>
    %add3A_160 = arith.addf %add3A_139, %broadcast_in_dim3A_159 : vector<1x64xf32>
    %slice3A_161 = vector.extract_strided_slice %convert_element_type3A_13 {offsets = [768, 0], sizes = [128, 64], strides = [1, 1]} : vector<2048x64xf32> to vector<128x64xf32>
    %convert_element_type3A_162 = arith.truncf %slice3A_161 : vector<128x64xf32> to vector<128x64xbf16>
    %dot_general3A_163 = arith.constant dense<0.000000e+00> : vector<128x64xf32>
    %dot_general3A_164 = tpu.matmul %convert_element_type3A_34, %convert_element_type3A_162, %dot_general3A_163 {dimension_numbers = #tpu.dot_dimension_numbers<[1], [0], [0], [1], [0, 0, 1, 1], [], []>, transpose_lhs_hint = false} : vector<128x128xbf16>, vector<128x64xbf16>, vector<128x64xf32> -> vector<128x64xf32>
    %add3A_165 = vector.broadcast %add3A_160 : vector<1x64xf32> to vector<128x64xf32>
    %add3A_166 = arith.addf %dot_general3A_164, %add3A_165 : vector<128x64xf32>
    %add3A_167 = vector.broadcast %dot_general3A_28 : vector<1x64xf32> to vector<128x64xf32>
    %add3A_168 = arith.addf %add3A_166, %add3A_167 : vector<128x64xf32>
    %mul3A_169 = arith.mulf %add3A_168, %slice3A_161 : vector<128x64xf32>
    %reduce_sum3A_170 = arith.constant dense<0.000000e+00> : vector<128xf32>
    %reduce_sum3A_171 = vector.multi_reduction <add>, %mul3A_169, %reduce_sum3A_170 [1] : vector<128x64xf32> to vector<128xf32>
    %convert_element_type3A_172 = arith.fptosi %reduce_sum3A_171 : vector<128xf32> to vector<128xi32>
    %swap3A_173 = arith.constant 6 : index
    %swap3A_174 = arith.constant 0 : index
    %swap3A_175 = vector.load %arg2[%swap3A_173, %swap3A_174] : memref<16x128xi32, #tpu.memory_space<vmem>>, vector<1x128xi32>
    %swap3A_176 = vector.shape_cast %swap3A_175 : vector<1x128xi32> to vector<128xi32>
    %swap3A_177 = vector.shape_cast %convert_element_type3A_172 : vector<128xi32> to vector<1x128xi32>
    tpu.vector_store %arg2[%swap3A_173, %swap3A_174], %swap3A_177 {strides = array<i32>} : memref<16x128xi32, #tpu.memory_space<vmem>>, vector<1x128xi32>,
    %reduce_sum3A_178 = arith.constant dense<0.000000e+00> : vector<64xf32>
    %reduce_sum3A_179 = vector.multi_reduction <add>, %slice3A_161, %reduce_sum3A_178 [0] : vector<128x64xf32> to vector<64xf32>
    %broadcast_in_dim3A_180 = vector.shape_cast %reduce_sum3A_179 : vector<64xf32> to vector<1x64xf32>
    %add3A_181 = arith.addf %add3A_160, %broadcast_in_dim3A_180 : vector<1x64xf32>
    %slice3A_182 = vector.extract_strided_slice %convert_element_type3A_13 {offsets = [896, 0], sizes = [128, 64], strides = [1, 1]} : vector<2048x64xf32> to vector<128x64xf32>
    %convert_element_type3A_183 = arith.truncf %slice3A_182 : vector<128x64xf32> to vector<128x64xbf16>
    %dot_general3A_184 = arith.constant dense<0.000000e+00> : vector<128x64xf32>
    %dot_general3A_185 = tpu.matmul %convert_element_type3A_34, %convert_element_type3A_183, %dot_general3A_184 {dimension_numbers = #tpu.dot_dimension_numbers<[1], [0], [0], [1], [0, 0, 1, 1], [], []>, transpose_lhs_hint = false} : vector<128x128xbf16>, vector<128x64xbf16>, vector<128x64xf32> -> vector<128x64xf32>
    %add3A_186 = vector.broadcast %add3A_181 : vector<1x64xf32> to vector<128x64xf32>
    %add3A_187 = arith.addf %dot_general3A_185, %add3A_186 : vector<128x64xf32>
    %add3A_188 = vector.broadcast %dot_general3A_28 : vector<1x64xf32> to vector<128x64xf32>
    %add3A_189 = arith.addf %add3A_187, %add3A_188 : vector<128x64xf32>
    %mul3A_190 = arith.mulf %add3A_189, %slice3A_182 : vector<128x64xf32>
    %reduce_sum3A_191 = arith.constant dense<0.000000e+00> : vector<128xf32>
    %reduce_sum3A_192 = vector.multi_reduction <add>, %mul3A_190, %reduce_sum3A_191 [1] : vector<128x64xf32> to vector<128xf32>
    %convert_element_type3A_193 = arith.fptosi %reduce_sum3A_192 : vector<128xf32> to vector<128xi32>
    %swap3A_194 = arith.constant 7 : index
    %swap3A_195 = arith.constant 0 : index
    %swap3A_196 = vector.load %arg2[%swap3A_194, %swap3A_195] : memref<16x128xi32, #tpu.memory_space<vmem>>, vector<1x128xi32>
    %swap3A_197 = vector.shape_cast %swap3A_196 : vector<1x128xi32> to vector<128xi32>
    %swap3A_198 = vector.shape_cast %convert_element_type3A_193 : vector<128xi32> to vector<1x128xi32>
    tpu.vector_store %arg2[%swap3A_194, %swap3A_195], %swap3A_198 {strides = array<i32>} : memref<16x128xi32, #tpu.memory_space<vmem>>, vector<1x128xi32>,
    %reduce_sum3A_199 = arith.constant dense<0.000000e+00> : vector<64xf32>
    %reduce_sum3A_200 = vector.multi_reduction <add>, %slice3A_182, %reduce_sum3A_199 [0] : vector<128x64xf32> to vector<64xf32>
    %broadcast_in_dim3A_201 = vector.shape_cast %reduce_sum3A_200 : vector<64xf32> to vector<1x64xf32>
    %add3A_202 = arith.addf %add3A_181, %broadcast_in_dim3A_201 : vector<1x64xf32>
    %slice3A_203 = vector.extract_strided_slice %convert_element_type3A_13 {offsets = [1024, 0], sizes = [128, 64], strides = [1, 1]} : vector<2048x64xf32> to vector<128x64xf32>
    %convert_element_type3A_204 = arith.truncf %slice3A_203 : vector<128x64xf32> to vector<128x64xbf16>
    %dot_general3A_205 = arith.constant dense<0.000000e+00> : vector<128x64xf32>
    %dot_general3A_206 = tpu.matmul %convert_element_type3A_34, %convert_element_type3A_204, %dot_general3A_205 {dimension_numbers = #tpu.dot_dimension_numbers<[1], [0], [0], [1], [0, 0, 1, 1], [], []>, transpose_lhs_hint = false} : vector<128x128xbf16>, vector<128x64xbf16>, vector<128x64xf32> -> vector<128x64xf32>
    %add3A_207 = vector.broadcast %add3A_202 : vector<1x64xf32> to vector<128x64xf32>
    %add3A_208 = arith.addf %dot_general3A_206, %add3A_207 : vector<128x64xf32>
    %add3A_209 = vector.broadcast %dot_general3A_28 : vector<1x64xf32> to vector<128x64xf32>
    %add3A_210 = arith.addf %add3A_208, %add3A_209 : vector<128x64xf32>
    %mul3A_211 = arith.mulf %add3A_210, %slice3A_203 : vector<128x64xf32>
    %reduce_sum3A_212 = arith.constant dense<0.000000e+00> : vector<128xf32>
    %reduce_sum3A_213 = vector.multi_reduction <add>, %mul3A_211, %reduce_sum3A_212 [1] : vector<128x64xf32> to vector<128xf32>
    %convert_element_type3A_214 = arith.fptosi %reduce_sum3A_213 : vector<128xf32> to vector<128xi32>
    %swap3A_215 = arith.constant 8 : index
    %swap3A_216 = arith.constant 0 : index
    %swap3A_217 = vector.load %arg2[%swap3A_215, %swap3A_216] : memref<16x128xi32, #tpu.memory_space<vmem>>, vector<1x128xi32>
    %swap3A_218 = vector.shape_cast %swap3A_217 : vector<1x128xi32> to vector<128xi32>
    %swap3A_219 = vector.shape_cast %convert_element_type3A_214 : vector<128xi32> to vector<1x128xi32>
    tpu.vector_store %arg2[%swap3A_215, %swap3A_216], %swap3A_219 {strides = array<i32>} : memref<16x128xi32, #tpu.memory_space<vmem>>, vector<1x128xi32>,
    %reduce_sum3A_220 = arith.constant dense<0.000000e+00> : vector<64xf32>
    %reduce_sum3A_221 = vector.multi_reduction <add>, %slice3A_203, %reduce_sum3A_220 [0] : vector<128x64xf32> to vector<64xf32>
    %broadcast_in_dim3A_222 = vector.shape_cast %reduce_sum3A_221 : vector<64xf32> to vector<1x64xf32>
    %add3A_223 = arith.addf %add3A_202, %broadcast_in_dim3A_222 : vector<1x64xf32>
    %slice3A_224 = vector.extract_strided_slice %convert_element_type3A_13 {offsets = [1152, 0], sizes = [128, 64], strides = [1, 1]} : vector<2048x64xf32> to vector<128x64xf32>
    %convert_element_type3A_225 = arith.truncf %slice3A_224 : vector<128x64xf32> to vector<128x64xbf16>
    %dot_general3A_226 = arith.constant dense<0.000000e+00> : vector<128x64xf32>
    %dot_general3A_227 = tpu.matmul %convert_element_type3A_34, %convert_element_type3A_225, %dot_general3A_226 {dimension_numbers = #tpu.dot_dimension_numbers<[1], [0], [0], [1], [0, 0, 1, 1], [], []>, transpose_lhs_hint = false} : vector<128x128xbf16>, vector<128x64xbf16>, vector<128x64xf32> -> vector<128x64xf32>
    %add3A_228 = vector.broadcast %add3A_223 : vector<1x64xf32> to vector<128x64xf32>
    %add3A_229 = arith.addf %dot_general3A_227, %add3A_228 : vector<128x64xf32>
    %add3A_230 = vector.broadcast %dot_general3A_28 : vector<1x64xf32> to vector<128x64xf32>
    %add3A_231 = arith.addf %add3A_229, %add3A_230 : vector<128x64xf32>
    %mul3A_232 = arith.mulf %add3A_231, %slice3A_224 : vector<128x64xf32>
    %reduce_sum3A_233 = arith.constant dense<0.000000e+00> : vector<128xf32>
    %reduce_sum3A_234 = vector.multi_reduction <add>, %mul3A_232, %reduce_sum3A_233 [1] : vector<128x64xf32> to vector<128xf32>
    %convert_element_type3A_235 = arith.fptosi %reduce_sum3A_234 : vector<128xf32> to vector<128xi32>
    %swap3A_236 = arith.constant 9 : index
    %swap3A_237 = arith.constant 0 : index
    %swap3A_238 = vector.load %arg2[%swap3A_236, %swap3A_237] : memref<16x128xi32, #tpu.memory_space<vmem>>, vector<1x128xi32>
    %swap3A_239 = vector.shape_cast %swap3A_238 : vector<1x128xi32> to vector<128xi32>
    %swap3A_240 = vector.shape_cast %convert_element_type3A_235 : vector<128xi32> to vector<1x128xi32>
    tpu.vector_store %arg2[%swap3A_236, %swap3A_237], %swap3A_240 {strides = array<i32>} : memref<16x128xi32, #tpu.memory_space<vmem>>, vector<1x128xi32>,
    %reduce_sum3A_241 = arith.constant dense<0.000000e+00> : vector<64xf32>
    %reduce_sum3A_242 = vector.multi_reduction <add>, %slice3A_224, %reduce_sum3A_241 [0] : vector<128x64xf32> to vector<64xf32>
    %broadcast_in_dim3A_243 = vector.shape_cast %reduce_sum3A_242 : vector<64xf32> to vector<1x64xf32>
    %add3A_244 = arith.addf %add3A_223, %broadcast_in_dim3A_243 : vector<1x64xf32>
    %slice3A_245 = vector.extract_strided_slice %convert_element_type3A_13 {offsets = [1280, 0], sizes = [128, 64], strides = [1, 1]} : vector<2048x64xf32> to vector<128x64xf32>
    %convert_element_type3A_246 = arith.truncf %slice3A_245 : vector<128x64xf32> to vector<128x64xbf16>
    %dot_general3A_247 = arith.constant dense<0.000000e+00> : vector<128x64xf32>
    %dot_general3A_248 = tpu.matmul %convert_element_type3A_34, %convert_element_type3A_246, %dot_general3A_247 {dimension_numbers = #tpu.dot_dimension_numbers<[1], [0], [0], [1], [0, 0, 1, 1], [], []>, transpose_lhs_hint = false} : vector<128x128xbf16>, vector<128x64xbf16>, vector<128x64xf32> -> vector<128x64xf32>
    %add3A_249 = vector.broadcast %add3A_244 : vector<1x64xf32> to vector<128x64xf32>
    %add3A_250 = arith.addf %dot_general3A_248, %add3A_249 : vector<128x64xf32>
    %add3A_251 = vector.broadcast %dot_general3A_28 : vector<1x64xf32> to vector<128x64xf32>
    %add3A_252 = arith.addf %add3A_250, %add3A_251 : vector<128x64xf32>
    %mul3A_253 = arith.mulf %add3A_252, %slice3A_245 : vector<128x64xf32>
    %reduce_sum3A_254 = arith.constant dense<0.000000e+00> : vector<128xf32>
    %reduce_sum3A_255 = vector.multi_reduction <add>, %mul3A_253, %reduce_sum3A_254 [1] : vector<128x64xf32> to vector<128xf32>
    %convert_element_type3A_256 = arith.fptosi %reduce_sum3A_255 : vector<128xf32> to vector<128xi32>
    %swap3A_257 = arith.constant 10 : index
    %swap3A_258 = arith.constant 0 : index
    %swap3A_259 = vector.load %arg2[%swap3A_257, %swap3A_258] : memref<16x128xi32, #tpu.memory_space<vmem>>, vector<1x128xi32>
    %swap3A_260 = vector.shape_cast %swap3A_259 : vector<1x128xi32> to vector<128xi32>
    %swap3A_261 = vector.shape_cast %convert_element_type3A_256 : vector<128xi32> to vector<1x128xi32>
    tpu.vector_store %arg2[%swap3A_257, %swap3A_258], %swap3A_261 {strides = array<i32>} : memref<16x128xi32, #tpu.memory_space<vmem>>, vector<1x128xi32>,
    %reduce_sum3A_262 = arith.constant dense<0.000000e+00> : vector<64xf32>
    %reduce_sum3A_263 = vector.multi_reduction <add>, %slice3A_245, %reduce_sum3A_262 [0] : vector<128x64xf32> to vector<64xf32>
    %broadcast_in_dim3A_264 = vector.shape_cast %reduce_sum3A_263 : vector<64xf32> to vector<1x64xf32>
    %add3A_265 = arith.addf %add3A_244, %broadcast_in_dim3A_264 : vector<1x64xf32>
    %slice3A_266 = vector.extract_strided_slice %convert_element_type3A_13 {offsets = [1408, 0], sizes = [128, 64], strides = [1, 1]} : vector<2048x64xf32> to vector<128x64xf32>
    %convert_element_type3A_267 = arith.truncf %slice3A_266 : vector<128x64xf32> to vector<128x64xbf16>
    %dot_general3A_268 = arith.constant dense<0.000000e+00> : vector<128x64xf32>
    %dot_general3A_269 = tpu.matmul %convert_element_type3A_34, %convert_element_type3A_267, %dot_general3A_268 {dimension_numbers = #tpu.dot_dimension_numbers<[1], [0], [0], [1], [0, 0, 1, 1], [], []>, transpose_lhs_hint = false} : vector<128x128xbf16>, vector<128x64xbf16>, vector<128x64xf32> -> vector<128x64xf32>
    %add3A_270 = vector.broadcast %add3A_265 : vector<1x64xf32> to vector<128x64xf32>
    %add3A_271 = arith.addf %dot_general3A_269, %add3A_270 : vector<128x64xf32>
    %add3A_272 = vector.broadcast %dot_general3A_28 : vector<1x64xf32> to vector<128x64xf32>
    %add3A_273 = arith.addf %add3A_271, %add3A_272 : vector<128x64xf32>
    %mul3A_274 = arith.mulf %add3A_273, %slice3A_266 : vector<128x64xf32>
    %reduce_sum3A_275 = arith.constant dense<0.000000e+00> : vector<128xf32>
    %reduce_sum3A_276 = vector.multi_reduction <add>, %mul3A_274, %reduce_sum3A_275 [1] : vector<128x64xf32> to vector<128xf32>
    %convert_element_type3A_277 = arith.fptosi %reduce_sum3A_276 : vector<128xf32> to vector<128xi32>
    %swap3A_278 = arith.constant 11 : index
    %swap3A_279 = arith.constant 0 : index
    %swap3A_280 = vector.load %arg2[%swap3A_278, %swap3A_279] : memref<16x128xi32, #tpu.memory_space<vmem>>, vector<1x128xi32>
    %swap3A_281 = vector.shape_cast %swap3A_280 : vector<1x128xi32> to vector<128xi32>
    %swap3A_282 = vector.shape_cast %convert_element_type3A_277 : vector<128xi32> to vector<1x128xi32>
    tpu.vector_store %arg2[%swap3A_278, %swap3A_279], %swap3A_282 {strides = array<i32>} : memref<16x128xi32, #tpu.memory_space<vmem>>, vector<1x128xi32>,
    %reduce_sum3A_283 = arith.constant dense<0.000000e+00> : vector<64xf32>
    %reduce_sum3A_284 = vector.multi_reduction <add>, %slice3A_266, %reduce_sum3A_283 [0] : vector<128x64xf32> to vector<64xf32>
    %broadcast_in_dim3A_285 = vector.shape_cast %reduce_sum3A_284 : vector<64xf32> to vector<1x64xf32>
    %add3A_286 = arith.addf %add3A_265, %broadcast_in_dim3A_285 : vector<1x64xf32>
    %slice3A_287 = vector.extract_strided_slice %convert_element_type3A_13 {offsets = [1536, 0], sizes = [128, 64], strides = [1, 1]} : vector<2048x64xf32> to vector<128x64xf32>
    %convert_element_type3A_288 = arith.truncf %slice3A_287 : vector<128x64xf32> to vector<128x64xbf16>
    %dot_general3A_289 = arith.constant dense<0.000000e+00> : vector<128x64xf32>
    %dot_general3A_290 = tpu.matmul %convert_element_type3A_34, %convert_element_type3A_288, %dot_general3A_289 {dimension_numbers = #tpu.dot_dimension_numbers<[1], [0], [0], [1], [0, 0, 1, 1], [], []>, transpose_lhs_hint = false} : vector<128x128xbf16>, vector<128x64xbf16>, vector<128x64xf32> -> vector<128x64xf32>
    %add3A_291 = vector.broadcast %add3A_286 : vector<1x64xf32> to vector<128x64xf32>
    %add3A_292 = arith.addf %dot_general3A_290, %add3A_291 : vector<128x64xf32>
    %add3A_293 = vector.broadcast %dot_general3A_28 : vector<1x64xf32> to vector<128x64xf32>
    %add3A_294 = arith.addf %add3A_292, %add3A_293 : vector<128x64xf32>
    %mul3A_295 = arith.mulf %add3A_294, %slice3A_287 : vector<128x64xf32>
    %reduce_sum3A_296 = arith.constant dense<0.000000e+00> : vector<128xf32>
    %reduce_sum3A_297 = vector.multi_reduction <add>, %mul3A_295, %reduce_sum3A_296 [1] : vector<128x64xf32> to vector<128xf32>
    %convert_element_type3A_298 = arith.fptosi %reduce_sum3A_297 : vector<128xf32> to vector<128xi32>
    %swap3A_299 = arith.constant 12 : index
    %swap3A_300 = arith.constant 0 : index
    %swap3A_301 = vector.load %arg2[%swap3A_299, %swap3A_300] : memref<16x128xi32, #tpu.memory_space<vmem>>, vector<1x128xi32>
    %swap3A_302 = vector.shape_cast %swap3A_301 : vector<1x128xi32> to vector<128xi32>
    %swap3A_303 = vector.shape_cast %convert_element_type3A_298 : vector<128xi32> to vector<1x128xi32>
    tpu.vector_store %arg2[%swap3A_299, %swap3A_300], %swap3A_303 {strides = array<i32>} : memref<16x128xi32, #tpu.memory_space<vmem>>, vector<1x128xi32>,
    %reduce_sum3A_304 = arith.constant dense<0.000000e+00> : vector<64xf32>
    %reduce_sum3A_305 = vector.multi_reduction <add>, %slice3A_287, %reduce_sum3A_304 [0] : vector<128x64xf32> to vector<64xf32>
    %broadcast_in_dim3A_306 = vector.shape_cast %reduce_sum3A_305 : vector<64xf32> to vector<1x64xf32>
    %add3A_307 = arith.addf %add3A_286, %broadcast_in_dim3A_306 : vector<1x64xf32>
    %slice3A_308 = vector.extract_strided_slice %convert_element_type3A_13 {offsets = [1664, 0], sizes = [128, 64], strides = [1, 1]} : vector<2048x64xf32> to vector<128x64xf32>
    %convert_element_type3A_309 = arith.truncf %slice3A_308 : vector<128x64xf32> to vector<128x64xbf16>
    %dot_general3A_310 = arith.constant dense<0.000000e+00> : vector<128x64xf32>
    %dot_general3A_311 = tpu.matmul %convert_element_type3A_34, %convert_element_type3A_309, %dot_general3A_310 {dimension_numbers = #tpu.dot_dimension_numbers<[1], [0], [0], [1], [0, 0, 1, 1], [], []>, transpose_lhs_hint = false} : vector<128x128xbf16>, vector<128x64xbf16>, vector<128x64xf32> -> vector<128x64xf32>
    %add3A_312 = vector.broadcast %add3A_307 : vector<1x64xf32> to vector<128x64xf32>
    %add3A_313 = arith.addf %dot_general3A_311, %add3A_312 : vector<128x64xf32>
    %add3A_314 = vector.broadcast %dot_general3A_28 : vector<1x64xf32> to vector<128x64xf32>
    %add3A_315 = arith.addf %add3A_313, %add3A_314 : vector<128x64xf32>
    %mul3A_316 = arith.mulf %add3A_315, %slice3A_308 : vector<128x64xf32>
    %reduce_sum3A_317 = arith.constant dense<0.000000e+00> : vector<128xf32>
    %reduce_sum3A_318 = vector.multi_reduction <add>, %mul3A_316, %reduce_sum3A_317 [1] : vector<128x64xf32> to vector<128xf32>
    %convert_element_type3A_319 = arith.fptosi %reduce_sum3A_318 : vector<128xf32> to vector<128xi32>
    %swap3A_320 = arith.constant 13 : index
    %swap3A_321 = arith.constant 0 : index
    %swap3A_322 = vector.load %arg2[%swap3A_320, %swap3A_321] : memref<16x128xi32, #tpu.memory_space<vmem>>, vector<1x128xi32>
    %swap3A_323 = vector.shape_cast %swap3A_322 : vector<1x128xi32> to vector<128xi32>
    %swap3A_324 = vector.shape_cast %convert_element_type3A_319 : vector<128xi32> to vector<1x128xi32>
    tpu.vector_store %arg2[%swap3A_320, %swap3A_321], %swap3A_324 {strides = array<i32>} : memref<16x128xi32, #tpu.memory_space<vmem>>, vector<1x128xi32>,
    %reduce_sum3A_325 = arith.constant dense<0.000000e+00> : vector<64xf32>
    %reduce_sum3A_326 = vector.multi_reduction <add>, %slice3A_308, %reduce_sum3A_325 [0] : vector<128x64xf32> to vector<64xf32>
    %broadcast_in_dim3A_327 = vector.shape_cast %reduce_sum3A_326 : vector<64xf32> to vector<1x64xf32>
    %add3A_328 = arith.addf %add3A_307, %broadcast_in_dim3A_327 : vector<1x64xf32>
    %slice3A_329 = vector.extract_strided_slice %convert_element_type3A_13 {offsets = [1792, 0], sizes = [128, 64], strides = [1, 1]} : vector<2048x64xf32> to vector<128x64xf32>
    %convert_element_type3A_330 = arith.truncf %slice3A_329 : vector<128x64xf32> to vector<128x64xbf16>
    %dot_general3A_331 = arith.constant dense<0.000000e+00> : vector<128x64xf32>
    %dot_general3A_332 = tpu.matmul %convert_element_type3A_34, %convert_element_type3A_330, %dot_general3A_331 {dimension_numbers = #tpu.dot_dimension_numbers<[1], [0], [0], [1], [0, 0, 1, 1], [], []>, transpose_lhs_hint = false} : vector<128x128xbf16>, vector<128x64xbf16>, vector<128x64xf32> -> vector<128x64xf32>
    %add3A_333 = vector.broadcast %add3A_328 : vector<1x64xf32> to vector<128x64xf32>
    %add3A_334 = arith.addf %dot_general3A_332, %add3A_333 : vector<128x64xf32>
    %add3A_335 = vector.broadcast %dot_general3A_28 : vector<1x64xf32> to vector<128x64xf32>
    %add3A_336 = arith.addf %add3A_334, %add3A_335 : vector<128x64xf32>
    %mul3A_337 = arith.mulf %add3A_336, %slice3A_329 : vector<128x64xf32>
    %reduce_sum3A_338 = arith.constant dense<0.000000e+00> : vector<128xf32>
    %reduce_sum3A_339 = vector.multi_reduction <add>, %mul3A_337, %reduce_sum3A_338 [1] : vector<128x64xf32> to vector<128xf32>
    %convert_element_type3A_340 = arith.fptosi %reduce_sum3A_339 : vector<128xf32> to vector<128xi32>
    %swap3A_341 = arith.constant 14 : index
    %swap3A_342 = arith.constant 0 : index
    %swap3A_343 = vector.load %arg2[%swap3A_341, %swap3A_342] : memref<16x128xi32, #tpu.memory_space<vmem>>, vector<1x128xi32>
    %swap3A_344 = vector.shape_cast %swap3A_343 : vector<1x128xi32> to vector<128xi32>
    %swap3A_345 = vector.shape_cast %convert_element_type3A_340 : vector<128xi32> to vector<1x128xi32>
    tpu.vector_store %arg2[%swap3A_341, %swap3A_342], %swap3A_345 {strides = array<i32>} : memref<16x128xi32, #tpu.memory_space<vmem>>, vector<1x128xi32>,
    %reduce_sum3A_346 = arith.constant dense<0.000000e+00> : vector<64xf32>
    %reduce_sum3A_347 = vector.multi_reduction <add>, %slice3A_329, %reduce_sum3A_346 [0] : vector<128x64xf32> to vector<64xf32>
    %broadcast_in_dim3A_348 = vector.shape_cast %reduce_sum3A_347 : vector<64xf32> to vector<1x64xf32>
    %add3A_349 = arith.addf %add3A_328, %broadcast_in_dim3A_348 : vector<1x64xf32>
    %slice3A_350 = vector.extract_strided_slice %convert_element_type3A_13 {offsets = [1920, 0], sizes = [128, 64], strides = [1, 1]} : vector<2048x64xf32> to vector<128x64xf32>
    %convert_element_type3A_351 = arith.truncf %slice3A_350 : vector<128x64xf32> to vector<128x64xbf16>
    %dot_general3A_352 = arith.constant dense<0.000000e+00> : vector<128x64xf32>
    %dot_general3A_353 = tpu.matmul %convert_element_type3A_34, %convert_element_type3A_351, %dot_general3A_352 {dimension_numbers = #tpu.dot_dimension_numbers<[1], [0], [0], [1], [0, 0, 1, 1], [], []>, transpose_lhs_hint = false} : vector<128x128xbf16>, vector<128x64xbf16>, vector<128x64xf32> -> vector<128x64xf32>
    %add3A_354 = vector.broadcast %add3A_349 : vector<1x64xf32> to vector<128x64xf32>
    %add3A_355 = arith.addf %dot_general3A_353, %add3A_354 : vector<128x64xf32>
    %add3A_356 = vector.broadcast %dot_general3A_28 : vector<1x64xf32> to vector<128x64xf32>
    %add3A_357 = arith.addf %add3A_355, %add3A_356 : vector<128x64xf32>
    %mul3A_358 = arith.mulf %add3A_357, %slice3A_350 : vector<128x64xf32>
    %reduce_sum3A_359 = arith.constant dense<0.000000e+00> : vector<128xf32>
    %reduce_sum3A_360 = vector.multi_reduction <add>, %mul3A_358, %reduce_sum3A_359 [1] : vector<128x64xf32> to vector<128xf32>
    %convert_element_type3A_361 = arith.fptosi %reduce_sum3A_360 : vector<128xf32> to vector<128xi32>
    %swap3A_362 = arith.constant 15 : index
    %swap3A_363 = arith.constant 0 : index
    %swap3A_364 = vector.load %arg2[%swap3A_362, %swap3A_363] : memref<16x128xi32, #tpu.memory_space<vmem>>, vector<1x128xi32>
    %swap3A_365 = vector.shape_cast %swap3A_364 : vector<1x128xi32> to vector<128xi32>
    %swap3A_366 = vector.shape_cast %convert_element_type3A_361 : vector<128xi32> to vector<1x128xi32>
    tpu.vector_store %arg2[%swap3A_362, %swap3A_363], %swap3A_366 {strides = array<i32>} : memref<16x128xi32, #tpu.memory_space<vmem>>, vector<1x128xi32>,
    %convert_element_type3A_367 = arith.fptosi %dot_general3A_28 : vector<1x64xf32> to vector<1x64xi32>
    %swap3A_368 = arith.constant 0 : index
    %swap3A_369 = arith.constant 0 : index
    %swap3A_370 = vector.load %arg3[%swap3A_368, %swap3A_369] : memref<1x64xi32, #tpu.memory_space<vmem>>, vector<1x64xi32>
    tpu.vector_store %arg3[%swap3A_368, %swap3A_369], %convert_element_type3A_367 {strides = array<i32>} : memref<1x64xi32, #tpu.memory_space<vmem>>, vector<1x64xi32>,
    %convert_element_type3A_371 = arith.fptosi %broadcast_in_dim3A_15 : vector<1x64xf32> to vector<1x64xi32>
    %swap3A_372 = arith.constant 0 : index
    %swap3A_373 = arith.constant 0 : index
    %swap3A_374 = vector.load %arg4[%swap3A_372, %swap3A_373] : memref<1x64xi32, #tpu.memory_space<vmem>>, vector<1x64xi32>
    tpu.vector_store %arg4[%swap3A_372, %swap3A_373], %convert_element_type3A_371 {strides = array<i32>} : memref<1x64xi32, #tpu.memory_space<vmem>>, vector<1x64xi32>,
    return
  }
}

module attributes {stable_mosaic.version = 14 : i64} {
  func.func @_moe_body(%arg0: i32, %arg1: memref<64xi32, #tpu.memory_space<smem>>, %arg2: memref<64xi32, #tpu.memory_space<smem>>, %arg3: memref<2560x768xf32, #tpu.memory_space<vmem>>, %arg4: memref<4x384x768xf32, #tpu.memory_space<vmem>>, %arg5: memref<4x384x768xf32, #tpu.memory_space<vmem>>, %arg6: memref<4x768x384xf32, #tpu.memory_space<vmem>>, %arg7: memref<2560x768xf32, #tpu.memory_space<vmem>>) attributes {dimension_semantics = [#tpu.dimension_semantics<arbitrary>], iteration_bounds = array<i64: 16>, scalar_prefetch = 2 : i64, scratch_operands = 0 : i64, tpu.core_type = #tpu.core_type<tc>, window_params = [{pipeline_mode = #tpu.pipeline_mode<synchronous>, transform_indices = @transform_0, window_bounds = array<i64: 2560, 768>}, {transform_indices = @transform_1, window_bounds = array<i64: 4, 384, 768>}, {transform_indices = @transform_2, window_bounds = array<i64: 4, 384, 768>}, {transform_indices = @transform_3, window_bounds = array<i64: 4, 768, 384>}, {pipeline_mode = #tpu.pipeline_mode<synchronous>, transform_indices = @transform_4, window_bounds = array<i64: 2560, 768>}]} {
    %mul3A = arith.constant 4 : i32
    %mul3A_0 = arith.muli %arg0, %mul3A : i32
    %add3A = arith.constant 0 : i32
    %add3A_1 = arith.addi %mul3A_0, %add3A : i32
    %get3A = arith.index_cast %add3A_1 : i32 to index
    %get3A_2 = memref.load %arg1[%get3A] : memref<64xi32, #tpu.memory_space<smem>>
    %get3A_3 = arith.index_cast %add3A_1 : i32 to index
    %get3A_4 = memref.load %arg2[%get3A_3] : memref<64xi32, #tpu.memory_space<smem>>
    %get3A_5 = arith.constant 0 : index
    %get3A_6 = arith.constant 0 : index
    %get3A_7 = arith.constant 0 : index
    %get3A_8 = vector.load %arg4[%get3A_5, %get3A_6, %get3A_7] : memref<4x384x768xf32, #tpu.memory_space<vmem>>, vector<1x384x768xf32>
    %get3A_9 = vector.shape_cast %get3A_8 : vector<1x384x768xf32> to vector<384x768xf32>
    %get3A_10 = arith.constant 0 : index
    %get3A_11 = arith.constant 0 : index
    %get3A_12 = arith.constant 0 : index
    %get3A_13 = vector.load %arg5[%get3A_10, %get3A_11, %get3A_12] : memref<4x384x768xf32, #tpu.memory_space<vmem>>, vector<1x384x768xf32>
    %get3A_14 = vector.shape_cast %get3A_13 : vector<1x384x768xf32> to vector<384x768xf32>
    %concatenate3A = tpu.concatenate %get3A_9, %get3A_14 in 0 : vector<384x768xf32>, vector<384x768xf32> -> vector<768x768xf32>
    %convert_element_type3A = arith.truncf %concatenate3A : vector<768x768xf32> to vector<768x768xbf16>
    %get3A_15 = arith.constant 0 : index
    %get3A_16 = arith.constant 0 : index
    %get3A_17 = arith.constant 0 : index
    %get3A_18 = vector.load %arg6[%get3A_15, %get3A_16, %get3A_17] : memref<4x768x384xf32, #tpu.memory_space<vmem>>, vector<1x768x384xf32>
    %get3A_19 = vector.shape_cast %get3A_18 : vector<1x768x384xf32> to vector<768x384xf32>
    %convert_element_type3A_20 = arith.truncf %get3A_19 : vector<768x384xf32> to vector<768x384xbf16>
    %add3A_21 = arith.constant 64 : i32
    %add3A_22 = arith.addi %get3A_4, %add3A_21 : i32
    %sub3A = arith.constant 1 : i32
    %sub3A_23 = arith.subi %add3A_22, %sub3A : i32
    %jit3A = arith.constant 64 : i32
    %div3A = arith.divsi %sub3A_23, %jit3A : i32
    %sign3A = arith.constant 0 : i32
    %sign3A_24 = arith.cmpi sgt, %sub3A_23, %sign3A : i32
    %sign3A_25 = arith.extui %sign3A_24 : i1 to i32
    %sign3A_26 = arith.constant 0 : i32
    %sign3A_27 = arith.cmpi slt, %sub3A_23, %sign3A_26 : i32
    %sign3A_28 = arith.extui %sign3A_27 : i1 to i32
    %sign3A_29 = arith.subi %sign3A_25, %sign3A_28 : i32
    %sign3A_30 = arith.constant 0 : i32
    %sign3A_31 = arith.cmpi sgt, %jit3A, %sign3A_30 : i32
    %sign3A_32 = arith.extui %sign3A_31 : i1 to i32
    %sign3A_33 = arith.constant 0 : i32
    %sign3A_34 = arith.cmpi slt, %jit3A, %sign3A_33 : i32
    %sign3A_35 = arith.extui %sign3A_34 : i1 to i32
    %sign3A_36 = arith.subi %sign3A_32, %sign3A_35 : i32
    %ne3A = arith.cmpi ne, %sign3A_29, %sign3A_36 : i32
    %rem3A = arith.remsi %sub3A_23, %jit3A : i32
    %ne3A_37 = arith.constant 0 : i32
    %ne3A_38 = arith.cmpi ne, %rem3A, %ne3A_37 : i32
    %and3A = arith.andi %ne3A, %ne3A_38 : i1
    %sub3A_39 = arith.constant 1 : i32
    %sub3A_40 = arith.subi %div3A, %sub3A_39 : i32
    %select_n3A = arith.select %and3A, %sub3A_40, %div3A : i32
    %while3A = arith.constant 0 : i32
    %while3A_41 = arith.constant 0 : i32
    %while3A_42 = arith.subi %select_n3A, %while3A_41 : i32
    %while3A_43 = arith.addi %while3A_41, %while3A_42 : i32
    %while3A_44 = arith.constant 1 : i32
    %while3A_45 = arith.divsi %while3A_42, %while3A_44 : i32
    %while3A_46 = arith.muli %while3A_45, %while3A_44 : i32
    %while3A_47 = arith.addi %while3A_41, %while3A_46 : i32
    %while3A_48 = arith.constant 1 : i32
    scf.for %while3A_242 = %while3A_41 to %while3A_47 step %while3A_48  : i32 {
      %mul3A_243 = arith.constant 64 : i32
      %mul3A_244 = arith.muli %while3A_242, %mul3A_243 : i32
      %add3A_245 = arith.addi %get3A_2, %mul3A_244 : i32
      %min3A = arith.constant 2496 : i32
      %min3A_246 = arith.minsi %add3A_245, %min3A : i32
      %multiple_of3A = tpu.assume_multiple %min3A_246, 8 : i32
      %get3A_247 = arith.index_cast %multiple_of3A : i32 to index
      %get3A_248 = arith.constant 0 : index
      %get3A_249 = vector.load %arg3[%get3A_247, %get3A_248] : memref<2560x768xf32, #tpu.memory_space<vmem>>, vector<64x768xf32>
      %convert_element_type3A_250 = arith.truncf %get3A_249 : vector<64x768xf32> to vector<64x768xbf16>
      %dot_general3A = arith.constant dense<0.000000e+00> : vector<64x768xf32>
      %dot_general3A_251 = tpu.matmul %convert_element_type3A_250, %convert_element_type3A, %dot_general3A {dimension_numbers = #tpu.dot_dimension_numbers<[1], [1], [0], [0], [0, 0, 1, 0], [], []>, transpose_lhs_hint = false} : vector<64x768xbf16>, vector<768x768xbf16>, vector<64x768xf32> -> vector<64x768xf32>
      %slice3A = vector.extract_strided_slice %dot_general3A_251 {offsets = [0, 0], sizes = [64, 384], strides = [1, 1]} : vector<64x768xf32> to vector<64x384xf32>
      %slice3A_252 = vector.extract_strided_slice %dot_general3A_251 {offsets = [0, 384], sizes = [64, 384], strides = [1, 1]} : vector<64x768xf32> to vector<64x384xf32>
      %logistic3A = arith.negf %slice3A : vector<64x384xf32>
      %logistic3A_253 = math.exp %logistic3A : vector<64x384xf32>
      %logistic3A_254 = arith.constant 1.000000e+00 : f32
      %logistic3A_255 = vector.broadcast %logistic3A_254 : f32 to vector<64x384xf32>
      %logistic3A_256 = arith.addf %logistic3A_255, %logistic3A_253 : vector<64x384xf32>
      %logistic3A_257 = arith.divf %logistic3A_255, %logistic3A_256 : vector<64x384xf32>
      %mul3A_258 = arith.mulf %slice3A, %logistic3A_257 : vector<64x384xf32>
      %mul3A_259 = arith.mulf %mul3A_258, %slice3A_252 : vector<64x384xf32>
      %convert_element_type3A_260 = arith.truncf %mul3A_259 : vector<64x384xf32> to vector<64x384xbf16>
      %dot_general3A_261 = arith.constant dense<0.000000e+00> : vector<64x768xf32>
      %dot_general3A_262 = tpu.matmul %convert_element_type3A_260, %convert_element_type3A_20, %dot_general3A_261 {dimension_numbers = #tpu.dot_dimension_numbers<[1], [1], [0], [0], [0, 0, 1, 0], [], []>, transpose_lhs_hint = false} : vector<64x384xbf16>, vector<768x384xbf16>, vector<64x768xf32> -> vector<64x768xf32>
      %iota3A = tpu.iota {dimensions = array<i32: 0>} : vector<64x1xi32>
      %add3A_263 = vector.broadcast %multiple_of3A : i32 to vector<64x1xi32>
      %add3A_264 = arith.addi %add3A_263, %iota3A : vector<64x1xi32>
      %ge3A = vector.broadcast %get3A_2 : i32 to vector<64x1xi32>
      %ge3A_265 = arith.cmpi sge, %add3A_264, %ge3A : vector<64x1xi32>
      %add3A_266 = arith.addi %get3A_2, %get3A_4 : i32
      %lt3A = vector.broadcast %add3A_266 : i32 to vector<64x1xi32>
      %lt3A_267 = arith.cmpi slt, %add3A_264, %lt3A : vector<64x1xi32>
      %and3A_268 = arith.andi %ge3A_265, %lt3A_267 : vector<64x1xi1>
      %get3A_269 = arith.index_cast %multiple_of3A : i32 to index
      %get3A_270 = arith.constant 0 : index
      %get3A_271 = vector.load %arg7[%get3A_269, %get3A_270] : memref<2560x768xf32, #tpu.memory_space<vmem>>, vector<64x768xf32>
      %broadcast_in_dim3A = vector.shape_cast %and3A_268 : vector<64x1xi1> to vector<64x1xi1>
      %broadcast_in_dim3A_272 = vector.broadcast %broadcast_in_dim3A : vector<64x1xi1> to vector<64x768xi1>
      %select_n3A_273 = arith.select %broadcast_in_dim3A_272, %dot_general3A_262, %get3A_271 : vector<64x768xi1>, vector<64x768xf32>
      %swap3A = arith.index_cast %multiple_of3A : i32 to index
      %swap3A_274 = arith.constant 0 : index
      %swap3A_275 = vector.load %arg7[%swap3A, %swap3A_274] : memref<2560x768xf32, #tpu.memory_space<vmem>>, vector<64x768xf32>
      tpu.vector_store %arg7[%swap3A, %swap3A_274], %select_n3A_273 {strides = array<i32>} : memref<2560x768xf32, #tpu.memory_space<vmem>>, vector<64x768xf32>,
    }
    %while3A_49 = arith.constant 1 : i32
    scf.for %while3A_242 = %while3A_47 to %while3A_43 step %while3A_49  : i32 {
      %mul3A_243 = arith.constant 64 : i32
      %mul3A_244 = arith.muli %while3A_242, %mul3A_243 : i32
      %add3A_245 = arith.addi %get3A_2, %mul3A_244 : i32
      %min3A = arith.constant 2496 : i32
      %min3A_246 = arith.minsi %add3A_245, %min3A : i32
      %multiple_of3A = tpu.assume_multiple %min3A_246, 8 : i32
      %get3A_247 = arith.index_cast %multiple_of3A : i32 to index
      %get3A_248 = arith.constant 0 : index
      %get3A_249 = vector.load %arg3[%get3A_247, %get3A_248] : memref<2560x768xf32, #tpu.memory_space<vmem>>, vector<64x768xf32>
      %convert_element_type3A_250 = arith.truncf %get3A_249 : vector<64x768xf32> to vector<64x768xbf16>
      %dot_general3A = arith.constant dense<0.000000e+00> : vector<64x768xf32>
      %dot_general3A_251 = tpu.matmul %convert_element_type3A_250, %convert_element_type3A, %dot_general3A {dimension_numbers = #tpu.dot_dimension_numbers<[1], [1], [0], [0], [0, 0, 1, 0], [], []>, transpose_lhs_hint = false} : vector<64x768xbf16>, vector<768x768xbf16>, vector<64x768xf32> -> vector<64x768xf32>
      %slice3A = vector.extract_strided_slice %dot_general3A_251 {offsets = [0, 0], sizes = [64, 384], strides = [1, 1]} : vector<64x768xf32> to vector<64x384xf32>
      %slice3A_252 = vector.extract_strided_slice %dot_general3A_251 {offsets = [0, 384], sizes = [64, 384], strides = [1, 1]} : vector<64x768xf32> to vector<64x384xf32>
      %logistic3A = arith.negf %slice3A : vector<64x384xf32>
      %logistic3A_253 = math.exp %logistic3A : vector<64x384xf32>
      %logistic3A_254 = arith.constant 1.000000e+00 : f32
      %logistic3A_255 = vector.broadcast %logistic3A_254 : f32 to vector<64x384xf32>
      %logistic3A_256 = arith.addf %logistic3A_255, %logistic3A_253 : vector<64x384xf32>
      %logistic3A_257 = arith.divf %logistic3A_255, %logistic3A_256 : vector<64x384xf32>
      %mul3A_258 = arith.mulf %slice3A, %logistic3A_257 : vector<64x384xf32>
      %mul3A_259 = arith.mulf %mul3A_258, %slice3A_252 : vector<64x384xf32>
      %convert_element_type3A_260 = arith.truncf %mul3A_259 : vector<64x384xf32> to vector<64x384xbf16>
      %dot_general3A_261 = arith.constant dense<0.000000e+00> : vector<64x768xf32>
      %dot_general3A_262 = tpu.matmul %convert_element_type3A_260, %convert_element_type3A_20, %dot_general3A_261 {dimension_numbers = #tpu.dot_dimension_numbers<[1], [1], [0], [0], [0, 0, 1, 0], [], []>, transpose_lhs_hint = false} : vector<64x384xbf16>, vector<768x384xbf16>, vector<64x768xf32> -> vector<64x768xf32>
      %iota3A = tpu.iota {dimensions = array<i32: 0>} : vector<64x1xi32>
      %add3A_263 = vector.broadcast %multiple_of3A : i32 to vector<64x1xi32>
      %add3A_264 = arith.addi %add3A_263, %iota3A : vector<64x1xi32>
      %ge3A = vector.broadcast %get3A_2 : i32 to vector<64x1xi32>
      %ge3A_265 = arith.cmpi sge, %add3A_264, %ge3A : vector<64x1xi32>
      %add3A_266 = arith.addi %get3A_2, %get3A_4 : i32
      %lt3A = vector.broadcast %add3A_266 : i32 to vector<64x1xi32>
      %lt3A_267 = arith.cmpi slt, %add3A_264, %lt3A : vector<64x1xi32>
      %and3A_268 = arith.andi %ge3A_265, %lt3A_267 : vector<64x1xi1>
      %get3A_269 = arith.index_cast %multiple_of3A : i32 to index
      %get3A_270 = arith.constant 0 : index
      %get3A_271 = vector.load %arg7[%get3A_269, %get3A_270] : memref<2560x768xf32, #tpu.memory_space<vmem>>, vector<64x768xf32>
      %broadcast_in_dim3A = vector.shape_cast %and3A_268 : vector<64x1xi1> to vector<64x1xi1>
      %broadcast_in_dim3A_272 = vector.broadcast %broadcast_in_dim3A : vector<64x1xi1> to vector<64x768xi1>
      %select_n3A_273 = arith.select %broadcast_in_dim3A_272, %dot_general3A_262, %get3A_271 : vector<64x768xi1>, vector<64x768xf32>
      %swap3A = arith.index_cast %multiple_of3A : i32 to index
      %swap3A_274 = arith.constant 0 : index
      %swap3A_275 = vector.load %arg7[%swap3A, %swap3A_274] : memref<2560x768xf32, #tpu.memory_space<vmem>>, vector<64x768xf32>
      tpu.vector_store %arg7[%swap3A, %swap3A_274], %select_n3A_273 {strides = array<i32>} : memref<2560x768xf32, #tpu.memory_space<vmem>>, vector<64x768xf32>,
    }
    %mul3A_50 = arith.constant 4 : i32
    %mul3A_51 = arith.muli %arg0, %mul3A_50 : i32
    %add3A_52 = arith.constant 1 : i32
    %add3A_53 = arith.addi %mul3A_51, %add3A_52 : i32
    %get3A_54 = arith.index_cast %add3A_53 : i32 to index
    %get3A_55 = memref.load %arg1[%get3A_54] : memref<64xi32, #tpu.memory_space<smem>>
    %get3A_56 = arith.index_cast %add3A_53 : i32 to index
    %get3A_57 = memref.load %arg2[%get3A_56] : memref<64xi32, #tpu.memory_space<smem>>
    %get3A_58 = arith.constant 1 : index
    %get3A_59 = arith.constant 0 : index
    %get3A_60 = arith.constant 0 : index
    %get3A_61 = vector.load %arg4[%get3A_58, %get3A_59, %get3A_60] : memref<4x384x768xf32, #tpu.memory_space<vmem>>, vector<1x384x768xf32>
    %get3A_62 = vector.shape_cast %get3A_61 : vector<1x384x768xf32> to vector<384x768xf32>
    %get3A_63 = arith.constant 1 : index
    %get3A_64 = arith.constant 0 : index
    %get3A_65 = arith.constant 0 : index
    %get3A_66 = vector.load %arg5[%get3A_63, %get3A_64, %get3A_65] : memref<4x384x768xf32, #tpu.memory_space<vmem>>, vector<1x384x768xf32>
    %get3A_67 = vector.shape_cast %get3A_66 : vector<1x384x768xf32> to vector<384x768xf32>
    %concatenate3A_68 = tpu.concatenate %get3A_62, %get3A_67 in 0 : vector<384x768xf32>, vector<384x768xf32> -> vector<768x768xf32>
    %convert_element_type3A_69 = arith.truncf %concatenate3A_68 : vector<768x768xf32> to vector<768x768xbf16>
    %get3A_70 = arith.constant 1 : index
    %get3A_71 = arith.constant 0 : index
    %get3A_72 = arith.constant 0 : index
    %get3A_73 = vector.load %arg6[%get3A_70, %get3A_71, %get3A_72] : memref<4x768x384xf32, #tpu.memory_space<vmem>>, vector<1x768x384xf32>
    %get3A_74 = vector.shape_cast %get3A_73 : vector<1x768x384xf32> to vector<768x384xf32>
    %convert_element_type3A_75 = arith.truncf %get3A_74 : vector<768x384xf32> to vector<768x384xbf16>
    %add3A_76 = arith.constant 64 : i32
    %add3A_77 = arith.addi %get3A_57, %add3A_76 : i32
    %sub3A_78 = arith.constant 1 : i32
    %sub3A_79 = arith.subi %add3A_77, %sub3A_78 : i32
    %jit3A_80 = arith.constant 64 : i32
    %div3A_81 = arith.divsi %sub3A_79, %jit3A_80 : i32
    %sign3A_82 = arith.constant 0 : i32
    %sign3A_83 = arith.cmpi sgt, %sub3A_79, %sign3A_82 : i32
    %sign3A_84 = arith.extui %sign3A_83 : i1 to i32
    %sign3A_85 = arith.constant 0 : i32
    %sign3A_86 = arith.cmpi slt, %sub3A_79, %sign3A_85 : i32
    %sign3A_87 = arith.extui %sign3A_86 : i1 to i32
    %sign3A_88 = arith.subi %sign3A_84, %sign3A_87 : i32
    %sign3A_89 = arith.constant 0 : i32
    %sign3A_90 = arith.cmpi sgt, %jit3A_80, %sign3A_89 : i32
    %sign3A_91 = arith.extui %sign3A_90 : i1 to i32
    %sign3A_92 = arith.constant 0 : i32
    %sign3A_93 = arith.cmpi slt, %jit3A_80, %sign3A_92 : i32
    %sign3A_94 = arith.extui %sign3A_93 : i1 to i32
    %sign3A_95 = arith.subi %sign3A_91, %sign3A_94 : i32
    %ne3A_96 = arith.cmpi ne, %sign3A_88, %sign3A_95 : i32
    %rem3A_97 = arith.remsi %sub3A_79, %jit3A_80 : i32
    %ne3A_98 = arith.constant 0 : i32
    %ne3A_99 = arith.cmpi ne, %rem3A_97, %ne3A_98 : i32
    %and3A_100 = arith.andi %ne3A_96, %ne3A_99 : i1
    %sub3A_101 = arith.constant 1 : i32
    %sub3A_102 = arith.subi %div3A_81, %sub3A_101 : i32
    %select_n3A_103 = arith.select %and3A_100, %sub3A_102, %div3A_81 : i32
    %while3A_104 = arith.constant 0 : i32
    %while3A_105 = arith.constant 0 : i32
    %while3A_106 = arith.subi %select_n3A_103, %while3A_105 : i32
    %while3A_107 = arith.addi %while3A_105, %while3A_106 : i32
    %while3A_108 = arith.constant 1 : i32
    %while3A_109 = arith.divsi %while3A_106, %while3A_108 : i32
    %while3A_110 = arith.muli %while3A_109, %while3A_108 : i32
    %while3A_111 = arith.addi %while3A_105, %while3A_110 : i32
    %while3A_112 = arith.constant 1 : i32
    scf.for %while3A_242 = %while3A_105 to %while3A_111 step %while3A_112  : i32 {
      %mul3A_243 = arith.constant 64 : i32
      %mul3A_244 = arith.muli %while3A_242, %mul3A_243 : i32
      %add3A_245 = arith.addi %get3A_55, %mul3A_244 : i32
      %min3A = arith.constant 2496 : i32
      %min3A_246 = arith.minsi %add3A_245, %min3A : i32
      %multiple_of3A = tpu.assume_multiple %min3A_246, 8 : i32
      %get3A_247 = arith.index_cast %multiple_of3A : i32 to index
      %get3A_248 = arith.constant 0 : index
      %get3A_249 = vector.load %arg3[%get3A_247, %get3A_248] : memref<2560x768xf32, #tpu.memory_space<vmem>>, vector<64x768xf32>
      %convert_element_type3A_250 = arith.truncf %get3A_249 : vector<64x768xf32> to vector<64x768xbf16>
      %dot_general3A = arith.constant dense<0.000000e+00> : vector<64x768xf32>
      %dot_general3A_251 = tpu.matmul %convert_element_type3A_250, %convert_element_type3A_69, %dot_general3A {dimension_numbers = #tpu.dot_dimension_numbers<[1], [1], [0], [0], [0, 0, 1, 0], [], []>, transpose_lhs_hint = false} : vector<64x768xbf16>, vector<768x768xbf16>, vector<64x768xf32> -> vector<64x768xf32>
      %slice3A = vector.extract_strided_slice %dot_general3A_251 {offsets = [0, 0], sizes = [64, 384], strides = [1, 1]} : vector<64x768xf32> to vector<64x384xf32>
      %slice3A_252 = vector.extract_strided_slice %dot_general3A_251 {offsets = [0, 384], sizes = [64, 384], strides = [1, 1]} : vector<64x768xf32> to vector<64x384xf32>
      %logistic3A = arith.negf %slice3A : vector<64x384xf32>
      %logistic3A_253 = math.exp %logistic3A : vector<64x384xf32>
      %logistic3A_254 = arith.constant 1.000000e+00 : f32
      %logistic3A_255 = vector.broadcast %logistic3A_254 : f32 to vector<64x384xf32>
      %logistic3A_256 = arith.addf %logistic3A_255, %logistic3A_253 : vector<64x384xf32>
      %logistic3A_257 = arith.divf %logistic3A_255, %logistic3A_256 : vector<64x384xf32>
      %mul3A_258 = arith.mulf %slice3A, %logistic3A_257 : vector<64x384xf32>
      %mul3A_259 = arith.mulf %mul3A_258, %slice3A_252 : vector<64x384xf32>
      %convert_element_type3A_260 = arith.truncf %mul3A_259 : vector<64x384xf32> to vector<64x384xbf16>
      %dot_general3A_261 = arith.constant dense<0.000000e+00> : vector<64x768xf32>
      %dot_general3A_262 = tpu.matmul %convert_element_type3A_260, %convert_element_type3A_75, %dot_general3A_261 {dimension_numbers = #tpu.dot_dimension_numbers<[1], [1], [0], [0], [0, 0, 1, 0], [], []>, transpose_lhs_hint = false} : vector<64x384xbf16>, vector<768x384xbf16>, vector<64x768xf32> -> vector<64x768xf32>
      %iota3A = tpu.iota {dimensions = array<i32: 0>} : vector<64x1xi32>
      %add3A_263 = vector.broadcast %multiple_of3A : i32 to vector<64x1xi32>
      %add3A_264 = arith.addi %add3A_263, %iota3A : vector<64x1xi32>
      %ge3A = vector.broadcast %get3A_55 : i32 to vector<64x1xi32>
      %ge3A_265 = arith.cmpi sge, %add3A_264, %ge3A : vector<64x1xi32>
      %add3A_266 = arith.addi %get3A_55, %get3A_57 : i32
      %lt3A = vector.broadcast %add3A_266 : i32 to vector<64x1xi32>
      %lt3A_267 = arith.cmpi slt, %add3A_264, %lt3A : vector<64x1xi32>
      %and3A_268 = arith.andi %ge3A_265, %lt3A_267 : vector<64x1xi1>
      %get3A_269 = arith.index_cast %multiple_of3A : i32 to index
      %get3A_270 = arith.constant 0 : index
      %get3A_271 = vector.load %arg7[%get3A_269, %get3A_270] : memref<2560x768xf32, #tpu.memory_space<vmem>>, vector<64x768xf32>
      %broadcast_in_dim3A = vector.shape_cast %and3A_268 : vector<64x1xi1> to vector<64x1xi1>
      %broadcast_in_dim3A_272 = vector.broadcast %broadcast_in_dim3A : vector<64x1xi1> to vector<64x768xi1>
      %select_n3A_273 = arith.select %broadcast_in_dim3A_272, %dot_general3A_262, %get3A_271 : vector<64x768xi1>, vector<64x768xf32>
      %swap3A = arith.index_cast %multiple_of3A : i32 to index
      %swap3A_274 = arith.constant 0 : index
      %swap3A_275 = vector.load %arg7[%swap3A, %swap3A_274] : memref<2560x768xf32, #tpu.memory_space<vmem>>, vector<64x768xf32>
      tpu.vector_store %arg7[%swap3A, %swap3A_274], %select_n3A_273 {strides = array<i32>} : memref<2560x768xf32, #tpu.memory_space<vmem>>, vector<64x768xf32>,
    }
    %while3A_113 = arith.constant 1 : i32
    scf.for %while3A_242 = %while3A_111 to %while3A_107 step %while3A_113  : i32 {
      %mul3A_243 = arith.constant 64 : i32
      %mul3A_244 = arith.muli %while3A_242, %mul3A_243 : i32
      %add3A_245 = arith.addi %get3A_55, %mul3A_244 : i32
      %min3A = arith.constant 2496 : i32
      %min3A_246 = arith.minsi %add3A_245, %min3A : i32
      %multiple_of3A = tpu.assume_multiple %min3A_246, 8 : i32
      %get3A_247 = arith.index_cast %multiple_of3A : i32 to index
      %get3A_248 = arith.constant 0 : index
      %get3A_249 = vector.load %arg3[%get3A_247, %get3A_248] : memref<2560x768xf32, #tpu.memory_space<vmem>>, vector<64x768xf32>
      %convert_element_type3A_250 = arith.truncf %get3A_249 : vector<64x768xf32> to vector<64x768xbf16>
      %dot_general3A = arith.constant dense<0.000000e+00> : vector<64x768xf32>
      %dot_general3A_251 = tpu.matmul %convert_element_type3A_250, %convert_element_type3A_69, %dot_general3A {dimension_numbers = #tpu.dot_dimension_numbers<[1], [1], [0], [0], [0, 0, 1, 0], [], []>, transpose_lhs_hint = false} : vector<64x768xbf16>, vector<768x768xbf16>, vector<64x768xf32> -> vector<64x768xf32>
      %slice3A = vector.extract_strided_slice %dot_general3A_251 {offsets = [0, 0], sizes = [64, 384], strides = [1, 1]} : vector<64x768xf32> to vector<64x384xf32>
      %slice3A_252 = vector.extract_strided_slice %dot_general3A_251 {offsets = [0, 384], sizes = [64, 384], strides = [1, 1]} : vector<64x768xf32> to vector<64x384xf32>
      %logistic3A = arith.negf %slice3A : vector<64x384xf32>
      %logistic3A_253 = math.exp %logistic3A : vector<64x384xf32>
      %logistic3A_254 = arith.constant 1.000000e+00 : f32
      %logistic3A_255 = vector.broadcast %logistic3A_254 : f32 to vector<64x384xf32>
      %logistic3A_256 = arith.addf %logistic3A_255, %logistic3A_253 : vector<64x384xf32>
      %logistic3A_257 = arith.divf %logistic3A_255, %logistic3A_256 : vector<64x384xf32>
      %mul3A_258 = arith.mulf %slice3A, %logistic3A_257 : vector<64x384xf32>
      %mul3A_259 = arith.mulf %mul3A_258, %slice3A_252 : vector<64x384xf32>
      %convert_element_type3A_260 = arith.truncf %mul3A_259 : vector<64x384xf32> to vector<64x384xbf16>
      %dot_general3A_261 = arith.constant dense<0.000000e+00> : vector<64x768xf32>
      %dot_general3A_262 = tpu.matmul %convert_element_type3A_260, %convert_element_type3A_75, %dot_general3A_261 {dimension_numbers = #tpu.dot_dimension_numbers<[1], [1], [0], [0], [0, 0, 1, 0], [], []>, transpose_lhs_hint = false} : vector<64x384xbf16>, vector<768x384xbf16>, vector<64x768xf32> -> vector<64x768xf32>
      %iota3A = tpu.iota {dimensions = array<i32: 0>} : vector<64x1xi32>
      %add3A_263 = vector.broadcast %multiple_of3A : i32 to vector<64x1xi32>
      %add3A_264 = arith.addi %add3A_263, %iota3A : vector<64x1xi32>
      %ge3A = vector.broadcast %get3A_55 : i32 to vector<64x1xi32>
      %ge3A_265 = arith.cmpi sge, %add3A_264, %ge3A : vector<64x1xi32>
      %add3A_266 = arith.addi %get3A_55, %get3A_57 : i32
      %lt3A = vector.broadcast %add3A_266 : i32 to vector<64x1xi32>
      %lt3A_267 = arith.cmpi slt, %add3A_264, %lt3A : vector<64x1xi32>
      %and3A_268 = arith.andi %ge3A_265, %lt3A_267 : vector<64x1xi1>
      %get3A_269 = arith.index_cast %multiple_of3A : i32 to index
      %get3A_270 = arith.constant 0 : index
      %get3A_271 = vector.load %arg7[%get3A_269, %get3A_270] : memref<2560x768xf32, #tpu.memory_space<vmem>>, vector<64x768xf32>
      %broadcast_in_dim3A = vector.shape_cast %and3A_268 : vector<64x1xi1> to vector<64x1xi1>
      %broadcast_in_dim3A_272 = vector.broadcast %broadcast_in_dim3A : vector<64x1xi1> to vector<64x768xi1>
      %select_n3A_273 = arith.select %broadcast_in_dim3A_272, %dot_general3A_262, %get3A_271 : vector<64x768xi1>, vector<64x768xf32>
      %swap3A = arith.index_cast %multiple_of3A : i32 to index
      %swap3A_274 = arith.constant 0 : index
      %swap3A_275 = vector.load %arg7[%swap3A, %swap3A_274] : memref<2560x768xf32, #tpu.memory_space<vmem>>, vector<64x768xf32>
      tpu.vector_store %arg7[%swap3A, %swap3A_274], %select_n3A_273 {strides = array<i32>} : memref<2560x768xf32, #tpu.memory_space<vmem>>, vector<64x768xf32>,
    }
    %mul3A_114 = arith.constant 4 : i32
    %mul3A_115 = arith.muli %arg0, %mul3A_114 : i32
    %add3A_116 = arith.constant 2 : i32
    %add3A_117 = arith.addi %mul3A_115, %add3A_116 : i32
    %get3A_118 = arith.index_cast %add3A_117 : i32 to index
    %get3A_119 = memref.load %arg1[%get3A_118] : memref<64xi32, #tpu.memory_space<smem>>
    %get3A_120 = arith.index_cast %add3A_117 : i32 to index
    %get3A_121 = memref.load %arg2[%get3A_120] : memref<64xi32, #tpu.memory_space<smem>>
    %get3A_122 = arith.constant 2 : index
    %get3A_123 = arith.constant 0 : index
    %get3A_124 = arith.constant 0 : index
    %get3A_125 = vector.load %arg4[%get3A_122, %get3A_123, %get3A_124] : memref<4x384x768xf32, #tpu.memory_space<vmem>>, vector<1x384x768xf32>
    %get3A_126 = vector.shape_cast %get3A_125 : vector<1x384x768xf32> to vector<384x768xf32>
    %get3A_127 = arith.constant 2 : index
    %get3A_128 = arith.constant 0 : index
    %get3A_129 = arith.constant 0 : index
    %get3A_130 = vector.load %arg5[%get3A_127, %get3A_128, %get3A_129] : memref<4x384x768xf32, #tpu.memory_space<vmem>>, vector<1x384x768xf32>
    %get3A_131 = vector.shape_cast %get3A_130 : vector<1x384x768xf32> to vector<384x768xf32>
    %concatenate3A_132 = tpu.concatenate %get3A_126, %get3A_131 in 0 : vector<384x768xf32>, vector<384x768xf32> -> vector<768x768xf32>
    %convert_element_type3A_133 = arith.truncf %concatenate3A_132 : vector<768x768xf32> to vector<768x768xbf16>
    %get3A_134 = arith.constant 2 : index
    %get3A_135 = arith.constant 0 : index
    %get3A_136 = arith.constant 0 : index
    %get3A_137 = vector.load %arg6[%get3A_134, %get3A_135, %get3A_136] : memref<4x768x384xf32, #tpu.memory_space<vmem>>, vector<1x768x384xf32>
    %get3A_138 = vector.shape_cast %get3A_137 : vector<1x768x384xf32> to vector<768x384xf32>
    %convert_element_type3A_139 = arith.truncf %get3A_138 : vector<768x384xf32> to vector<768x384xbf16>
    %add3A_140 = arith.constant 64 : i32
    %add3A_141 = arith.addi %get3A_121, %add3A_140 : i32
    %sub3A_142 = arith.constant 1 : i32
    %sub3A_143 = arith.subi %add3A_141, %sub3A_142 : i32
    %jit3A_144 = arith.constant 64 : i32
    %div3A_145 = arith.divsi %sub3A_143, %jit3A_144 : i32
    %sign3A_146 = arith.constant 0 : i32
    %sign3A_147 = arith.cmpi sgt, %sub3A_143, %sign3A_146 : i32
    %sign3A_148 = arith.extui %sign3A_147 : i1 to i32
    %sign3A_149 = arith.constant 0 : i32
    %sign3A_150 = arith.cmpi slt, %sub3A_143, %sign3A_149 : i32
    %sign3A_151 = arith.extui %sign3A_150 : i1 to i32
    %sign3A_152 = arith.subi %sign3A_148, %sign3A_151 : i32
    %sign3A_153 = arith.constant 0 : i32
    %sign3A_154 = arith.cmpi sgt, %jit3A_144, %sign3A_153 : i32
    %sign3A_155 = arith.extui %sign3A_154 : i1 to i32
    %sign3A_156 = arith.constant 0 : i32
    %sign3A_157 = arith.cmpi slt, %jit3A_144, %sign3A_156 : i32
    %sign3A_158 = arith.extui %sign3A_157 : i1 to i32
    %sign3A_159 = arith.subi %sign3A_155, %sign3A_158 : i32
    %ne3A_160 = arith.cmpi ne, %sign3A_152, %sign3A_159 : i32
    %rem3A_161 = arith.remsi %sub3A_143, %jit3A_144 : i32
    %ne3A_162 = arith.constant 0 : i32
    %ne3A_163 = arith.cmpi ne, %rem3A_161, %ne3A_162 : i32
    %and3A_164 = arith.andi %ne3A_160, %ne3A_163 : i1
    %sub3A_165 = arith.constant 1 : i32
    %sub3A_166 = arith.subi %div3A_145, %sub3A_165 : i32
    %select_n3A_167 = arith.select %and3A_164, %sub3A_166, %div3A_145 : i32
    %while3A_168 = arith.constant 0 : i32
    %while3A_169 = arith.constant 0 : i32
    %while3A_170 = arith.subi %select_n3A_167, %while3A_169 : i32
    %while3A_171 = arith.addi %while3A_169, %while3A_170 : i32
    %while3A_172 = arith.constant 1 : i32
    %while3A_173 = arith.divsi %while3A_170, %while3A_172 : i32
    %while3A_174 = arith.muli %while3A_173, %while3A_172 : i32
    %while3A_175 = arith.addi %while3A_169, %while3A_174 : i32
    %while3A_176 = arith.constant 1 : i32
    scf.for %while3A_242 = %while3A_169 to %while3A_175 step %while3A_176  : i32 {
      %mul3A_243 = arith.constant 64 : i32
      %mul3A_244 = arith.muli %while3A_242, %mul3A_243 : i32
      %add3A_245 = arith.addi %get3A_119, %mul3A_244 : i32
      %min3A = arith.constant 2496 : i32
      %min3A_246 = arith.minsi %add3A_245, %min3A : i32
      %multiple_of3A = tpu.assume_multiple %min3A_246, 8 : i32
      %get3A_247 = arith.index_cast %multiple_of3A : i32 to index
      %get3A_248 = arith.constant 0 : index
      %get3A_249 = vector.load %arg3[%get3A_247, %get3A_248] : memref<2560x768xf32, #tpu.memory_space<vmem>>, vector<64x768xf32>
      %convert_element_type3A_250 = arith.truncf %get3A_249 : vector<64x768xf32> to vector<64x768xbf16>
      %dot_general3A = arith.constant dense<0.000000e+00> : vector<64x768xf32>
      %dot_general3A_251 = tpu.matmul %convert_element_type3A_250, %convert_element_type3A_133, %dot_general3A {dimension_numbers = #tpu.dot_dimension_numbers<[1], [1], [0], [0], [0, 0, 1, 0], [], []>, transpose_lhs_hint = false} : vector<64x768xbf16>, vector<768x768xbf16>, vector<64x768xf32> -> vector<64x768xf32>
      %slice3A = vector.extract_strided_slice %dot_general3A_251 {offsets = [0, 0], sizes = [64, 384], strides = [1, 1]} : vector<64x768xf32> to vector<64x384xf32>
      %slice3A_252 = vector.extract_strided_slice %dot_general3A_251 {offsets = [0, 384], sizes = [64, 384], strides = [1, 1]} : vector<64x768xf32> to vector<64x384xf32>
      %logistic3A = arith.negf %slice3A : vector<64x384xf32>
      %logistic3A_253 = math.exp %logistic3A : vector<64x384xf32>
      %logistic3A_254 = arith.constant 1.000000e+00 : f32
      %logistic3A_255 = vector.broadcast %logistic3A_254 : f32 to vector<64x384xf32>
      %logistic3A_256 = arith.addf %logistic3A_255, %logistic3A_253 : vector<64x384xf32>
      %logistic3A_257 = arith.divf %logistic3A_255, %logistic3A_256 : vector<64x384xf32>
      %mul3A_258 = arith.mulf %slice3A, %logistic3A_257 : vector<64x384xf32>
      %mul3A_259 = arith.mulf %mul3A_258, %slice3A_252 : vector<64x384xf32>
      %convert_element_type3A_260 = arith.truncf %mul3A_259 : vector<64x384xf32> to vector<64x384xbf16>
      %dot_general3A_261 = arith.constant dense<0.000000e+00> : vector<64x768xf32>
      %dot_general3A_262 = tpu.matmul %convert_element_type3A_260, %convert_element_type3A_139, %dot_general3A_261 {dimension_numbers = #tpu.dot_dimension_numbers<[1], [1], [0], [0], [0, 0, 1, 0], [], []>, transpose_lhs_hint = false} : vector<64x384xbf16>, vector<768x384xbf16>, vector<64x768xf32> -> vector<64x768xf32>
      %iota3A = tpu.iota {dimensions = array<i32: 0>} : vector<64x1xi32>
      %add3A_263 = vector.broadcast %multiple_of3A : i32 to vector<64x1xi32>
      %add3A_264 = arith.addi %add3A_263, %iota3A : vector<64x1xi32>
      %ge3A = vector.broadcast %get3A_119 : i32 to vector<64x1xi32>
      %ge3A_265 = arith.cmpi sge, %add3A_264, %ge3A : vector<64x1xi32>
      %add3A_266 = arith.addi %get3A_119, %get3A_121 : i32
      %lt3A = vector.broadcast %add3A_266 : i32 to vector<64x1xi32>
      %lt3A_267 = arith.cmpi slt, %add3A_264, %lt3A : vector<64x1xi32>
      %and3A_268 = arith.andi %ge3A_265, %lt3A_267 : vector<64x1xi1>
      %get3A_269 = arith.index_cast %multiple_of3A : i32 to index
      %get3A_270 = arith.constant 0 : index
      %get3A_271 = vector.load %arg7[%get3A_269, %get3A_270] : memref<2560x768xf32, #tpu.memory_space<vmem>>, vector<64x768xf32>
      %broadcast_in_dim3A = vector.shape_cast %and3A_268 : vector<64x1xi1> to vector<64x1xi1>
      %broadcast_in_dim3A_272 = vector.broadcast %broadcast_in_dim3A : vector<64x1xi1> to vector<64x768xi1>
      %select_n3A_273 = arith.select %broadcast_in_dim3A_272, %dot_general3A_262, %get3A_271 : vector<64x768xi1>, vector<64x768xf32>
      %swap3A = arith.index_cast %multiple_of3A : i32 to index
      %swap3A_274 = arith.constant 0 : index
      %swap3A_275 = vector.load %arg7[%swap3A, %swap3A_274] : memref<2560x768xf32, #tpu.memory_space<vmem>>, vector<64x768xf32>
      tpu.vector_store %arg7[%swap3A, %swap3A_274], %select_n3A_273 {strides = array<i32>} : memref<2560x768xf32, #tpu.memory_space<vmem>>, vector<64x768xf32>,
    }
    %while3A_177 = arith.constant 1 : i32
    scf.for %while3A_242 = %while3A_175 to %while3A_171 step %while3A_177  : i32 {
      %mul3A_243 = arith.constant 64 : i32
      %mul3A_244 = arith.muli %while3A_242, %mul3A_243 : i32
      %add3A_245 = arith.addi %get3A_119, %mul3A_244 : i32
      %min3A = arith.constant 2496 : i32
      %min3A_246 = arith.minsi %add3A_245, %min3A : i32
      %multiple_of3A = tpu.assume_multiple %min3A_246, 8 : i32
      %get3A_247 = arith.index_cast %multiple_of3A : i32 to index
      %get3A_248 = arith.constant 0 : index
      %get3A_249 = vector.load %arg3[%get3A_247, %get3A_248] : memref<2560x768xf32, #tpu.memory_space<vmem>>, vector<64x768xf32>
      %convert_element_type3A_250 = arith.truncf %get3A_249 : vector<64x768xf32> to vector<64x768xbf16>
      %dot_general3A = arith.constant dense<0.000000e+00> : vector<64x768xf32>
      %dot_general3A_251 = tpu.matmul %convert_element_type3A_250, %convert_element_type3A_133, %dot_general3A {dimension_numbers = #tpu.dot_dimension_numbers<[1], [1], [0], [0], [0, 0, 1, 0], [], []>, transpose_lhs_hint = false} : vector<64x768xbf16>, vector<768x768xbf16>, vector<64x768xf32> -> vector<64x768xf32>
      %slice3A = vector.extract_strided_slice %dot_general3A_251 {offsets = [0, 0], sizes = [64, 384], strides = [1, 1]} : vector<64x768xf32> to vector<64x384xf32>
      %slice3A_252 = vector.extract_strided_slice %dot_general3A_251 {offsets = [0, 384], sizes = [64, 384], strides = [1, 1]} : vector<64x768xf32> to vector<64x384xf32>
      %logistic3A = arith.negf %slice3A : vector<64x384xf32>
      %logistic3A_253 = math.exp %logistic3A : vector<64x384xf32>
      %logistic3A_254 = arith.constant 1.000000e+00 : f32
      %logistic3A_255 = vector.broadcast %logistic3A_254 : f32 to vector<64x384xf32>
      %logistic3A_256 = arith.addf %logistic3A_255, %logistic3A_253 : vector<64x384xf32>
      %logistic3A_257 = arith.divf %logistic3A_255, %logistic3A_256 : vector<64x384xf32>
      %mul3A_258 = arith.mulf %slice3A, %logistic3A_257 : vector<64x384xf32>
      %mul3A_259 = arith.mulf %mul3A_258, %slice3A_252 : vector<64x384xf32>
      %convert_element_type3A_260 = arith.truncf %mul3A_259 : vector<64x384xf32> to vector<64x384xbf16>
      %dot_general3A_261 = arith.constant dense<0.000000e+00> : vector<64x768xf32>
      %dot_general3A_262 = tpu.matmul %convert_element_type3A_260, %convert_element_type3A_139, %dot_general3A_261 {dimension_numbers = #tpu.dot_dimension_numbers<[1], [1], [0], [0], [0, 0, 1, 0], [], []>, transpose_lhs_hint = false} : vector<64x384xbf16>, vector<768x384xbf16>, vector<64x768xf32> -> vector<64x768xf32>
      %iota3A = tpu.iota {dimensions = array<i32: 0>} : vector<64x1xi32>
      %add3A_263 = vector.broadcast %multiple_of3A : i32 to vector<64x1xi32>
      %add3A_264 = arith.addi %add3A_263, %iota3A : vector<64x1xi32>
      %ge3A = vector.broadcast %get3A_119 : i32 to vector<64x1xi32>
      %ge3A_265 = arith.cmpi sge, %add3A_264, %ge3A : vector<64x1xi32>
      %add3A_266 = arith.addi %get3A_119, %get3A_121 : i32
      %lt3A = vector.broadcast %add3A_266 : i32 to vector<64x1xi32>
      %lt3A_267 = arith.cmpi slt, %add3A_264, %lt3A : vector<64x1xi32>
      %and3A_268 = arith.andi %ge3A_265, %lt3A_267 : vector<64x1xi1>
      %get3A_269 = arith.index_cast %multiple_of3A : i32 to index
      %get3A_270 = arith.constant 0 : index
      %get3A_271 = vector.load %arg7[%get3A_269, %get3A_270] : memref<2560x768xf32, #tpu.memory_space<vmem>>, vector<64x768xf32>
      %broadcast_in_dim3A = vector.shape_cast %and3A_268 : vector<64x1xi1> to vector<64x1xi1>
      %broadcast_in_dim3A_272 = vector.broadcast %broadcast_in_dim3A : vector<64x1xi1> to vector<64x768xi1>
      %select_n3A_273 = arith.select %broadcast_in_dim3A_272, %dot_general3A_262, %get3A_271 : vector<64x768xi1>, vector<64x768xf32>
      %swap3A = arith.index_cast %multiple_of3A : i32 to index
      %swap3A_274 = arith.constant 0 : index
      %swap3A_275 = vector.load %arg7[%swap3A, %swap3A_274] : memref<2560x768xf32, #tpu.memory_space<vmem>>, vector<64x768xf32>
      tpu.vector_store %arg7[%swap3A, %swap3A_274], %select_n3A_273 {strides = array<i32>} : memref<2560x768xf32, #tpu.memory_space<vmem>>, vector<64x768xf32>,
    }
    %mul3A_178 = arith.constant 4 : i32
    %mul3A_179 = arith.muli %arg0, %mul3A_178 : i32
    %add3A_180 = arith.constant 3 : i32
    %add3A_181 = arith.addi %mul3A_179, %add3A_180 : i32
    %get3A_182 = arith.index_cast %add3A_181 : i32 to index
    %get3A_183 = memref.load %arg1[%get3A_182] : memref<64xi32, #tpu.memory_space<smem>>
    %get3A_184 = arith.index_cast %add3A_181 : i32 to index
    %get3A_185 = memref.load %arg2[%get3A_184] : memref<64xi32, #tpu.memory_space<smem>>
    %get3A_186 = arith.constant 3 : index
    %get3A_187 = arith.constant 0 : index
    %get3A_188 = arith.constant 0 : index
    %get3A_189 = vector.load %arg4[%get3A_186, %get3A_187, %get3A_188] : memref<4x384x768xf32, #tpu.memory_space<vmem>>, vector<1x384x768xf32>
    %get3A_190 = vector.shape_cast %get3A_189 : vector<1x384x768xf32> to vector<384x768xf32>
    %get3A_191 = arith.constant 3 : index
    %get3A_192 = arith.constant 0 : index
    %get3A_193 = arith.constant 0 : index
    %get3A_194 = vector.load %arg5[%get3A_191, %get3A_192, %get3A_193] : memref<4x384x768xf32, #tpu.memory_space<vmem>>, vector<1x384x768xf32>
    %get3A_195 = vector.shape_cast %get3A_194 : vector<1x384x768xf32> to vector<384x768xf32>
    %concatenate3A_196 = tpu.concatenate %get3A_190, %get3A_195 in 0 : vector<384x768xf32>, vector<384x768xf32> -> vector<768x768xf32>
    %convert_element_type3A_197 = arith.truncf %concatenate3A_196 : vector<768x768xf32> to vector<768x768xbf16>
    %get3A_198 = arith.constant 3 : index
    %get3A_199 = arith.constant 0 : index
    %get3A_200 = arith.constant 0 : index
    %get3A_201 = vector.load %arg6[%get3A_198, %get3A_199, %get3A_200] : memref<4x768x384xf32, #tpu.memory_space<vmem>>, vector<1x768x384xf32>
    %get3A_202 = vector.shape_cast %get3A_201 : vector<1x768x384xf32> to vector<768x384xf32>
    %convert_element_type3A_203 = arith.truncf %get3A_202 : vector<768x384xf32> to vector<768x384xbf16>
    %add3A_204 = arith.constant 64 : i32
    %add3A_205 = arith.addi %get3A_185, %add3A_204 : i32
    %sub3A_206 = arith.constant 1 : i32
    %sub3A_207 = arith.subi %add3A_205, %sub3A_206 : i32
    %jit3A_208 = arith.constant 64 : i32
    %div3A_209 = arith.divsi %sub3A_207, %jit3A_208 : i32
    %sign3A_210 = arith.constant 0 : i32
    %sign3A_211 = arith.cmpi sgt, %sub3A_207, %sign3A_210 : i32
    %sign3A_212 = arith.extui %sign3A_211 : i1 to i32
    %sign3A_213 = arith.constant 0 : i32
    %sign3A_214 = arith.cmpi slt, %sub3A_207, %sign3A_213 : i32
    %sign3A_215 = arith.extui %sign3A_214 : i1 to i32
    %sign3A_216 = arith.subi %sign3A_212, %sign3A_215 : i32
    %sign3A_217 = arith.constant 0 : i32
    %sign3A_218 = arith.cmpi sgt, %jit3A_208, %sign3A_217 : i32
    %sign3A_219 = arith.extui %sign3A_218 : i1 to i32
    %sign3A_220 = arith.constant 0 : i32
    %sign3A_221 = arith.cmpi slt, %jit3A_208, %sign3A_220 : i32
    %sign3A_222 = arith.extui %sign3A_221 : i1 to i32
    %sign3A_223 = arith.subi %sign3A_219, %sign3A_222 : i32
    %ne3A_224 = arith.cmpi ne, %sign3A_216, %sign3A_223 : i32
    %rem3A_225 = arith.remsi %sub3A_207, %jit3A_208 : i32
    %ne3A_226 = arith.constant 0 : i32
    %ne3A_227 = arith.cmpi ne, %rem3A_225, %ne3A_226 : i32
    %and3A_228 = arith.andi %ne3A_224, %ne3A_227 : i1
    %sub3A_229 = arith.constant 1 : i32
    %sub3A_230 = arith.subi %div3A_209, %sub3A_229 : i32
    %select_n3A_231 = arith.select %and3A_228, %sub3A_230, %div3A_209 : i32
    %while3A_232 = arith.constant 0 : i32
    %while3A_233 = arith.constant 0 : i32
    %while3A_234 = arith.subi %select_n3A_231, %while3A_233 : i32
    %while3A_235 = arith.addi %while3A_233, %while3A_234 : i32
    %while3A_236 = arith.constant 1 : i32
    %while3A_237 = arith.divsi %while3A_234, %while3A_236 : i32
    %while3A_238 = arith.muli %while3A_237, %while3A_236 : i32
    %while3A_239 = arith.addi %while3A_233, %while3A_238 : i32
    %while3A_240 = arith.constant 1 : i32
    scf.for %while3A_242 = %while3A_233 to %while3A_239 step %while3A_240  : i32 {
      %mul3A_243 = arith.constant 64 : i32
      %mul3A_244 = arith.muli %while3A_242, %mul3A_243 : i32
      %add3A_245 = arith.addi %get3A_183, %mul3A_244 : i32
      %min3A = arith.constant 2496 : i32
      %min3A_246 = arith.minsi %add3A_245, %min3A : i32
      %multiple_of3A = tpu.assume_multiple %min3A_246, 8 : i32
      %get3A_247 = arith.index_cast %multiple_of3A : i32 to index
      %get3A_248 = arith.constant 0 : index
      %get3A_249 = vector.load %arg3[%get3A_247, %get3A_248] : memref<2560x768xf32, #tpu.memory_space<vmem>>, vector<64x768xf32>
      %convert_element_type3A_250 = arith.truncf %get3A_249 : vector<64x768xf32> to vector<64x768xbf16>
      %dot_general3A = arith.constant dense<0.000000e+00> : vector<64x768xf32>
      %dot_general3A_251 = tpu.matmul %convert_element_type3A_250, %convert_element_type3A_197, %dot_general3A {dimension_numbers = #tpu.dot_dimension_numbers<[1], [1], [0], [0], [0, 0, 1, 0], [], []>, transpose_lhs_hint = false} : vector<64x768xbf16>, vector<768x768xbf16>, vector<64x768xf32> -> vector<64x768xf32>
      %slice3A = vector.extract_strided_slice %dot_general3A_251 {offsets = [0, 0], sizes = [64, 384], strides = [1, 1]} : vector<64x768xf32> to vector<64x384xf32>
      %slice3A_252 = vector.extract_strided_slice %dot_general3A_251 {offsets = [0, 384], sizes = [64, 384], strides = [1, 1]} : vector<64x768xf32> to vector<64x384xf32>
      %logistic3A = arith.negf %slice3A : vector<64x384xf32>
      %logistic3A_253 = math.exp %logistic3A : vector<64x384xf32>
      %logistic3A_254 = arith.constant 1.000000e+00 : f32
      %logistic3A_255 = vector.broadcast %logistic3A_254 : f32 to vector<64x384xf32>
      %logistic3A_256 = arith.addf %logistic3A_255, %logistic3A_253 : vector<64x384xf32>
      %logistic3A_257 = arith.divf %logistic3A_255, %logistic3A_256 : vector<64x384xf32>
      %mul3A_258 = arith.mulf %slice3A, %logistic3A_257 : vector<64x384xf32>
      %mul3A_259 = arith.mulf %mul3A_258, %slice3A_252 : vector<64x384xf32>
      %convert_element_type3A_260 = arith.truncf %mul3A_259 : vector<64x384xf32> to vector<64x384xbf16>
      %dot_general3A_261 = arith.constant dense<0.000000e+00> : vector<64x768xf32>
      %dot_general3A_262 = tpu.matmul %convert_element_type3A_260, %convert_element_type3A_203, %dot_general3A_261 {dimension_numbers = #tpu.dot_dimension_numbers<[1], [1], [0], [0], [0, 0, 1, 0], [], []>, transpose_lhs_hint = false} : vector<64x384xbf16>, vector<768x384xbf16>, vector<64x768xf32> -> vector<64x768xf32>
      %iota3A = tpu.iota {dimensions = array<i32: 0>} : vector<64x1xi32>
      %add3A_263 = vector.broadcast %multiple_of3A : i32 to vector<64x1xi32>
      %add3A_264 = arith.addi %add3A_263, %iota3A : vector<64x1xi32>
      %ge3A = vector.broadcast %get3A_183 : i32 to vector<64x1xi32>
      %ge3A_265 = arith.cmpi sge, %add3A_264, %ge3A : vector<64x1xi32>
      %add3A_266 = arith.addi %get3A_183, %get3A_185 : i32
      %lt3A = vector.broadcast %add3A_266 : i32 to vector<64x1xi32>
      %lt3A_267 = arith.cmpi slt, %add3A_264, %lt3A : vector<64x1xi32>
      %and3A_268 = arith.andi %ge3A_265, %lt3A_267 : vector<64x1xi1>
      %get3A_269 = arith.index_cast %multiple_of3A : i32 to index
      %get3A_270 = arith.constant 0 : index
      %get3A_271 = vector.load %arg7[%get3A_269, %get3A_270] : memref<2560x768xf32, #tpu.memory_space<vmem>>, vector<64x768xf32>
      %broadcast_in_dim3A = vector.shape_cast %and3A_268 : vector<64x1xi1> to vector<64x1xi1>
      %broadcast_in_dim3A_272 = vector.broadcast %broadcast_in_dim3A : vector<64x1xi1> to vector<64x768xi1>
      %select_n3A_273 = arith.select %broadcast_in_dim3A_272, %dot_general3A_262, %get3A_271 : vector<64x768xi1>, vector<64x768xf32>
      %swap3A = arith.index_cast %multiple_of3A : i32 to index
      %swap3A_274 = arith.constant 0 : index
      %swap3A_275 = vector.load %arg7[%swap3A, %swap3A_274] : memref<2560x768xf32, #tpu.memory_space<vmem>>, vector<64x768xf32>
      tpu.vector_store %arg7[%swap3A, %swap3A_274], %select_n3A_273 {strides = array<i32>} : memref<2560x768xf32, #tpu.memory_space<vmem>>, vector<64x768xf32>,
    }
    %while3A_241 = arith.constant 1 : i32
    scf.for %while3A_242 = %while3A_239 to %while3A_235 step %while3A_241  : i32 {
      %mul3A_243 = arith.constant 64 : i32
      %mul3A_244 = arith.muli %while3A_242, %mul3A_243 : i32
      %add3A_245 = arith.addi %get3A_183, %mul3A_244 : i32
      %min3A = arith.constant 2496 : i32
      %min3A_246 = arith.minsi %add3A_245, %min3A : i32
      %multiple_of3A = tpu.assume_multiple %min3A_246, 8 : i32
      %get3A_247 = arith.index_cast %multiple_of3A : i32 to index
      %get3A_248 = arith.constant 0 : index
      %get3A_249 = vector.load %arg3[%get3A_247, %get3A_248] : memref<2560x768xf32, #tpu.memory_space<vmem>>, vector<64x768xf32>
      %convert_element_type3A_250 = arith.truncf %get3A_249 : vector<64x768xf32> to vector<64x768xbf16>
      %dot_general3A = arith.constant dense<0.000000e+00> : vector<64x768xf32>
      %dot_general3A_251 = tpu.matmul %convert_element_type3A_250, %convert_element_type3A_197, %dot_general3A {dimension_numbers = #tpu.dot_dimension_numbers<[1], [1], [0], [0], [0, 0, 1, 0], [], []>, transpose_lhs_hint = false} : vector<64x768xbf16>, vector<768x768xbf16>, vector<64x768xf32> -> vector<64x768xf32>
      %slice3A = vector.extract_strided_slice %dot_general3A_251 {offsets = [0, 0], sizes = [64, 384], strides = [1, 1]} : vector<64x768xf32> to vector<64x384xf32>
      %slice3A_252 = vector.extract_strided_slice %dot_general3A_251 {offsets = [0, 384], sizes = [64, 384], strides = [1, 1]} : vector<64x768xf32> to vector<64x384xf32>
      %logistic3A = arith.negf %slice3A : vector<64x384xf32>
      %logistic3A_253 = math.exp %logistic3A : vector<64x384xf32>
      %logistic3A_254 = arith.constant 1.000000e+00 : f32
      %logistic3A_255 = vector.broadcast %logistic3A_254 : f32 to vector<64x384xf32>
      %logistic3A_256 = arith.addf %logistic3A_255, %logistic3A_253 : vector<64x384xf32>
      %logistic3A_257 = arith.divf %logistic3A_255, %logistic3A_256 : vector<64x384xf32>
      %mul3A_258 = arith.mulf %slice3A, %logistic3A_257 : vector<64x384xf32>
      %mul3A_259 = arith.mulf %mul3A_258, %slice3A_252 : vector<64x384xf32>
      %convert_element_type3A_260 = arith.truncf %mul3A_259 : vector<64x384xf32> to vector<64x384xbf16>
      %dot_general3A_261 = arith.constant dense<0.000000e+00> : vector<64x768xf32>
      %dot_general3A_262 = tpu.matmul %convert_element_type3A_260, %convert_element_type3A_203, %dot_general3A_261 {dimension_numbers = #tpu.dot_dimension_numbers<[1], [1], [0], [0], [0, 0, 1, 0], [], []>, transpose_lhs_hint = false} : vector<64x384xbf16>, vector<768x384xbf16>, vector<64x768xf32> -> vector<64x768xf32>
      %iota3A = tpu.iota {dimensions = array<i32: 0>} : vector<64x1xi32>
      %add3A_263 = vector.broadcast %multiple_of3A : i32 to vector<64x1xi32>
      %add3A_264 = arith.addi %add3A_263, %iota3A : vector<64x1xi32>
      %ge3A = vector.broadcast %get3A_183 : i32 to vector<64x1xi32>
      %ge3A_265 = arith.cmpi sge, %add3A_264, %ge3A : vector<64x1xi32>
      %add3A_266 = arith.addi %get3A_183, %get3A_185 : i32
      %lt3A = vector.broadcast %add3A_266 : i32 to vector<64x1xi32>
      %lt3A_267 = arith.cmpi slt, %add3A_264, %lt3A : vector<64x1xi32>
      %and3A_268 = arith.andi %ge3A_265, %lt3A_267 : vector<64x1xi1>
      %get3A_269 = arith.index_cast %multiple_of3A : i32 to index
      %get3A_270 = arith.constant 0 : index
      %get3A_271 = vector.load %arg7[%get3A_269, %get3A_270] : memref<2560x768xf32, #tpu.memory_space<vmem>>, vector<64x768xf32>
      %broadcast_in_dim3A = vector.shape_cast %and3A_268 : vector<64x1xi1> to vector<64x1xi1>
      %broadcast_in_dim3A_272 = vector.broadcast %broadcast_in_dim3A : vector<64x1xi1> to vector<64x768xi1>
      %select_n3A_273 = arith.select %broadcast_in_dim3A_272, %dot_general3A_262, %get3A_271 : vector<64x768xi1>, vector<64x768xf32>
      %swap3A = arith.index_cast %multiple_of3A : i32 to index
      %swap3A_274 = arith.constant 0 : index
      %swap3A_275 = vector.load %arg7[%swap3A, %swap3A_274] : memref<2560x768xf32, #tpu.memory_space<vmem>>, vector<64x768xf32>
      tpu.vector_store %arg7[%swap3A, %swap3A_274], %select_n3A_273 {strides = array<i32>} : memref<2560x768xf32, #tpu.memory_space<vmem>>, vector<64x768xf32>,
    }
    return
  }
  func.func @transform_0(%arg0: i32, %arg1: memref<64xi32, #tpu.memory_space<smem>>, %arg2: memref<64xi32, #tpu.memory_space<smem>>) -> (i32, i32) {
    %c0_i32 = arith.constant 0 : i32
    %c0_i32_0 = arith.constant 0 : i32
    %c0_i32_1 = arith.constant 0 : i32
    return %c0_i32, %c0_i32_0 : i32, i32
  }
  func.func @transform_1(%arg0: i32, %arg1: memref<64xi32, #tpu.memory_space<smem>>, %arg2: memref<64xi32, #tpu.memory_space<smem>>) -> (i32, i32, i32) {
    %c0_i32 = arith.constant 0 : i32
    %c0_i32_0 = arith.constant 0 : i32
    %c0_i32_1 = arith.constant 0 : i32
    return %arg0, %c0_i32, %c0_i32_0 : i32, i32, i32
  }
  func.func @transform_2(%arg0: i32, %arg1: memref<64xi32, #tpu.memory_space<smem>>, %arg2: memref<64xi32, #tpu.memory_space<smem>>) -> (i32, i32, i32) {
    %c0_i32 = arith.constant 0 : i32
    %c0_i32_0 = arith.constant 0 : i32
    %c0_i32_1 = arith.constant 0 : i32
    return %arg0, %c0_i32, %c0_i32_0 : i32, i32, i32
  }
  func.func @transform_3(%arg0: i32, %arg1: memref<64xi32, #tpu.memory_space<smem>>, %arg2: memref<64xi32, #tpu.memory_space<smem>>) -> (i32, i32, i32) {
    %c0_i32 = arith.constant 0 : i32
    %c0_i32_0 = arith.constant 0 : i32
    %c0_i32_1 = arith.constant 0 : i32
    return %arg0, %c0_i32, %c0_i32_0 : i32, i32, i32
  }
  func.func @transform_4(%arg0: i32, %arg1: memref<64xi32, #tpu.memory_space<smem>>, %arg2: memref<64xi32, #tpu.memory_space<smem>>) -> (i32, i32) {
    %c0_i32 = arith.constant 0 : i32
    %c0_i32_0 = arith.constant 0 : i32
    %c0_i32_1 = arith.constant 0 : i32
    return %c0_i32, %c0_i32_0 : i32, i32
  }
}

</mosaic_0001>

<sc_bundles>
// kernel: kernel.6.cloned.1.call-start
scs
__scs_entry_jumppad:
0x0: {  	(pc) =	sbr.rel $0x88, $3  }
0x1: {  	(tag) =	ssettag $0x0;
	lr =	simm.s32 $0x1  }
0x2: {  	[smem:$0x3F9C] =	sst lr;
	_ =	strace $0xD0000000  }
0x3: {  	_ = 	snop  }
0x4: {  	_ = 	snop  }
0x5: {  	_ = 	snop  }
0x6: {  	_ = 	snop  }
0x7: {  	_ = 	snop  }
__scs_overlays_trampoline_lowered:
0x8: {  	[smem:$0x3FAB] =	sst s0  }
0x9: {  	[smem:$0x3FAC] =	sst s1  }
0xa: {  	[smem:$0x3FAD] =	sst s2  }
0xb: {  	[smem:$0x3FAE] =	sst s3  }
0xc: {  	[smem:$0x3FAF] =	sst s4  }
0xd: {  	[smem:$0x3FB0] =	sst s5  }
0xe: {  	[smem:$0x3FB1] =	sst s6  }
0xf: {  	[smem:$0x3FB2] =	sst s7  }
0x10: {  	[smem:$0x3FB3] =	sst s8  }
0x11: {  	[smem:$0x3FB4] =	sst s9;
	s0 =	simm.s32 @!p0 $0x0  }
0x12: {  	s1 =	sld [smem:$0x3F9A];
	s0 =	simm.s32 @p0 $0x1  }
0x13: {  	[smem:$0x3FB5] =	sst s0;
	s0 =	simm.s32 @!p1 $0x0  }
0x14: {  	s2 =	sld [smem:$0x3F99];
	s0 =	simm.s32 @p1 $0x1  }
0x15: {  	[smem:$0x3FB6] =	sst s0;
	s0 =	simm.s32 @!p2 $0x0  }
0x16: {  	s3 =	sld [smem:$0x3FDB];
	s0 =	simm.s32 @p2 $0x1  }
0x17: {  	s4 =	simm.s32 $0x1BF5;
	[smem:$0x3FB8] =	sst s0  }
0x18: {  	s0 =	sld [smem:$0x3F9B];
	_ =	swait.ge [sflag:s4], $0x0  }
0x19: {  	s7 =	sld [smem:$0x3F9C]  }
0x1a: {  	s8 =	sadd.s32 $0xFFFFE003, lr  }
0x1b: {  	s9 =	sadd.s32 $0xFFFFFEF7, lr;
	s5 =	simm.s32 $0xFFFFFFFF;
	p2 =	slt.u32 s8, $0xFFFFF086  }
0x1c: {  	p1 =	slt.u32 s9, $0xF7A;
	s5 =	simm.s32 @!p2 $0x0  }
0x1d: {  	s5 =	simm.s32 @p1 $0x1;
	p0 =	seq.s32 s7, s2  }
0x1e: {  	s7 =	smul.u32 @!p0 $0xF7A, s2;
	p2 =	seq.s32 @!p0 s5, $0x0  }
0x1f: {  	s9 =	smul.u32 $0xF7A, s1;
	s8 =	simm.s32 @!p0 $0x1BF5;
	p2 =	por !p2, p0  }
0x20: {  	[sflag:s8] =	ssyncset.s32 @!p0 $0xFFFFF086;
	s6 =	sadd.s32 @!p0 s3, s7;
	s7 =	simm.s32 @!p0 $0x108  }
0x21: {  	s3 =	sadd.s32 s3, s9;
	s6 =	sadd.s32 @!p0 $0x88, s6;
	s7 =	simm.s32 @p2 $0x1082  }
0x22: {  	[simem:s7], [sflag:s8] =	dma.local @!p0 [hbm:s6], $0xF7A  }
0x23: {  	s9 =	sor.u32 $0xD0000000, s2;
	s6 =	simm.s32 $0x108;
	_ =	swait.ge @!p0 [sflag:s8], $0x0  }
0x24: {  	s3 =	sadd.s32 $0x88, s3;
	s6 =	simm.s32 @!p1 $0x1082;
	[sflag:s4] =	ssyncset.s32 $0xFFFFF086  }
0x25: {  	[simem:s6], [sflag:s4] =	dma.local [hbm:s3], $0xF7A  }
0x26: {  	[smem:$0x3F9C] =	sst s1;
	(tag) =	ssettag s2;
	_ =	strace s9  }
0x27: {  	s1 =	sld [smem:$0x3FAC]  }
0x28: {  	s2 =	sld [smem:$0x3FAD]  }
0x29: {  	s4 =	sld [smem:$0x3FAF]  }
0x2a: {  	p0 =	seq.s32 s5, $0x0;
	s5 =	sld [smem:$0x3FB0]  }
0x2b: {  	s6 =	sld [smem:$0x3FB1]  }
0x2c: {  	s7 =	sld [smem:$0x3FB2]  }
0x2d: {  	s3 =	simm.s32 $0x108;
	s8 =	sld [smem:$0x3FB3]  }
0x2e: {  	s3 =	simm.s32 @!p0 $0x1082;
	s9 =	sld [smem:$0x3FB4]  }
0x2f: {  	lr =	sadd.s32 s0, s3;
	s0 =	sld [smem:$0x3FAB]  }
0x30: {  	s3 =	sld [smem:$0x3FAE]  }
0x31: {  	[smem:$0x3FB7] =	sst s10  }
0x32: {  	s10 =	sld [smem:$0x3FB5];
	_ =	sdelay $0x3  }
0x33: {  	p0 =	seq.s32 s10, $0x1;
	s10 =	sld [smem:$0x3FB7];
	_ =	sdelay $0x3  }
0x34: {  	[smem:$0x3FB7] =	sst s10  }
0x35: {  	s10 =	sld [smem:$0x3FB6];
	_ =	sdelay $0x3  }
0x36: {  	p1 =	seq.s32 s10, $0x1;
	s10 =	sld [smem:$0x3FB7];
	_ =	sdelay $0x3  }
0x37: {  	[smem:$0x3FB7] =	sst s10  }
0x38: {  	s10 =	sld [smem:$0x3FB8]  }
0x39: {  	_ = 	snop;
	(pc) =	sbr.ind lr, $3  }
0x3a: {  	_ = 	snop  }
0x3b: {  	_ = 	snop  }
0x3c: {  	p2 =	seq.s32 s10, $0x1;
	s10 =	sld [smem:$0x3FB7]  }
0x3d: {  	_ =	shalt  }
0x3e: {  	_ =	shalt  }
0x3f: {  	_ =	shalt  }
0x40: {  	_ =	shalt  }
0x41: {  	_ =	shalt  }
0x42: {  	_ =	shalt  }
0x43: {  	_ =	shalt  }
0x44: {  	_ =	shalt  }
0x45: {  	_ =	shalt  }
0x46: {  	_ =	shalt  }
0x47: {  	_ =	shalt  }
0x48: {  	_ =	shalt  }
0x49: {  	_ =	shalt  }
0x4a: {  	_ =	shalt  }
0x4b: {  	_ =	shalt  }
0x4c: {  	_ =	shalt  }
0x4d: {  	_ =	shalt  }
0x4e: {  	_ =	shalt  }
0x4f: {  	_ =	shalt  }
0x50: {  	_ =	shalt  }
0x51: {  	_ =	shalt  }
0x52: {  	_ =	shalt  }
0x53: {  	_ =	shalt  }
0x54: {  	_ =	shalt  }
0x55: {  	_ =	shalt  }
0x56: {  	_ =	shalt  }
0x57: {  	_ =	shalt  }
0x58: {  	_ =	shalt  }
0x59: {  	_ =	shalt  }
0x5a: {  	_ =	shalt  }
0x5b: {  	_ =	shalt  }
0x5c: {  	_ =	shalt  }
0x5d: {  	_ =	shalt  }
0x5e: {  	_ =	shalt  }
0x5f: {  	_ =	shalt  }
0x60: {  	_ =	shalt  }
0x61: {  	_ =	shalt  }
0x62: {  	_ =	shalt  }
0x63: {  	_ =	shalt  }
0x64: {  	_ =	shalt  }
0x65: {  	_ =	shalt  }
0x66: {  	_ =	shalt  }
0x67: {  	_ =	shalt  }
0x68: {  	_ =	shalt  }
0x69: {  	_ =	shalt  }
0x6a: {  	_ =	shalt  }
0x6b: {  	_ =	shalt  }
0x6c: {  	_ =	shalt  }
0x6d: {  	_ =	shalt  }
0x6e: {  	_ =	shalt  }
0x6f: {  	_ =	shalt  }
0x70: {  	_ =	shalt  }
0x71: {  	_ =	shalt  }
0x72: {  	_ =	shalt  }
0x73: {  	_ =	shalt  }
0x74: {  	_ =	shalt  }
0x75: {  	_ =	shalt  }
0x76: {  	_ =	shalt  }
0x77: {  	_ =	shalt  }
0x78: {  	_ =	shalt  }
0x79: {  	_ =	shalt  }
0x7a: {  	_ =	shalt  }
0x7b: {  	_ =	shalt  }
0x7c: {  	_ =	shalt  }
0x7d: {  	_ =	shalt  }
0x7e: {  	_ =	shalt  }
0x7f: {  	_ =	shalt  }
0x80: {  	_ =	shalt  }
0x81: {  	_ =	shalt  }
0x82: {  	_ =	shalt  }
0x83: {  	_ =	shalt  }
0x84: {  	_ =	shalt  }
0x85: {  	_ =	shalt  }
0x86: {  	_ =	shalt  }
0x87: {  	_ =	shalt  }
.Lfunc_end0:
.L_simem_size_0:
called_computation_lowered:
.L_overlay_start_0:
0x88: {  	s2 =	sld [smem:$0x3FD9]  }
0x89: {  	s3 =	sld [smem:$0x3FFE];
	_ =	sdelay $0x1  }
0x8a: {  	s1 =	srdreg.scid  }
0x8b: {  	s0 =	sand.u32 $0x1, s1  }
0x8c: {  	s17 =	sshll.u32 s0, $0xA;
	s2 =	sadd.s32 s3, s2  }
0x8d: {  	s2 =	sadd.s32 s2, s17  }
0x8e: {  	[smem:$0x3FC3] =	sst s2  }
0x8f: {  	_ = 	snop  }
0x90: {  	s2 =	sld [smem:$0x3FC9];
	(tm) =	ssettm $0x1  }
0x91: {  	s18 =	sld [smem:$0x3FFB];
	_ =	sdelay $0x3  }
0x92: {  	_ =	strace s18  }
0x93: {  	s3 =	sld [smem:$0x3FFC];
	_ =	sdelay $0x3  }
0x94: {  	_ =	strace s3  }
0x95: {  	s3 =	sld [smem:$0x3FFD];
	_ =	sdelay $0x3  }
0x96: {  	_ =	strace s3  }
0x97: {  	_ =	strace $0x8FFFFFFF  }
0x98: {  	s19 =	sld [smem:$0x3FDB];
	_ =	sdelay $0x1  }
0x99: {  	s4 =	simm.s32 $_scs_section_size  }
0x9a: {  	s5 =	simm.s32 $_size__tile_overlayer_lowered;
	s6 =	simm.s32 $_tile_overlayer_lowered  }
0x9b: {  	s22 =	simm.s32 $0x1BFF;
	s21 =	sshll.u32 s6, $0x1;
	s3 =	sadd.s32 s4, s19  }
0x9c: {  	s7 =	simm.s32 $0x0;
	s20 =	sshll.u32 s5, $0x1;
	s5 =	sadd.s32 s21, s3  }
0x9d: {  	[timem:s7], [sflag:s22] =	dma.local [hbm:s5], s20  }
0x9e: {  	_ =	swait.ge [sflag:s22], s20  }
0x9f: {  	s4 =	ssub.s32 $0x0, s20;
	[sflag:s22] =	ssyncset.done $0x0  }
0xa0: {  	[sflag:s22] =	ssyncadd.s32 s4;
	_ =	sdelay $0x1  }
0xa1: {  	s23 =	simm.s32 $0x1B8B  }
0xa2: {  	_ =	swait.ge [sflag:s23], $0x1  }
0xa3: {  	[sflag:s23] =	ssyncset.done $0x0  }
0xa4: {  	s25 =	simm.s32 $0x1B8E;
	s24 =	sld [smem:$0x3FFE];
	[sflag:s23] =	ssyncadd.s32 $0xFFFFFFFF  }
0xa5: {  	s26 =	simm.s32 $execute0_lowered;
	[smem:$0x3FD2] =	sst s25  }
0xa6: {  	s5 =	sshll.u32 s26, $0x1;
	_ =	strace $0x80000046;
	[dreg:$0x1] =	wrdreg $0xFFFFFFFF  }
0xa7: {  	s28 =	simm.s32 $_size_execute0_lowered;
	s3 =	sadd.s32 s3, s5;
	[dreg:$0x0] =	wrdreg $0x0  }
0xa8: {  	s5 =	sshll.u32 s28, $0x1;
	[dreg:$0x2] =	wrdreg s3  }
0xa9: {  	[dreg:$0x3] =	wrdreg s5  }
0xaa: {  	[dreg:$0x4] =	wrdreg $0xC0  }
0xab: {  	_ =	task [dreg:s7], $0x5FFFF  }
0xac: {  	[dreg:$0x1] =	wrdreg $0xFFFFFFFF  }
0xad: {  	[dreg:$0x0] =	wrdreg $0x60  }
0xae: {  	[dreg:$0x2] =	wrdreg s2  }
0xaf: {  	[dreg:$0x3] =	wrdreg s24  }
0xb0: {  	[dreg:$0x4] =	wrdreg $0x9  }
0xb1: {  	_ =	task.clear_ibuf [dreg:s7], $0x5FFFF;
	_ =	strace $0x90000046  }
0xb2: {  	s29 =	simm.s32 $0x9;
	_ =	strace $0x80000048  }
0xb3: {  	_ =	swait.ge [sflag:s29], $0x1  }
0xb4: {  	[sflag:s29] =	ssyncadd.s32 $0xFFFFFFFF  }
0xb5: {  	_ =	strace $0x90000048  }
0xb6: {  	_ =	sfence  }
0xb7: {  	s30 =	sld [smem:$0x0];
	_ =	sdelay $0x2  }
0xb8: {  	s31 =	sshll.u32 s1, $0xD;
	s1 =	sshrl.u32 s1, $0x2  }
0xb9: {  	s3 =	sand.u32 $0x4000, s31;
	s1 =	sadd.s32 s1, s30  }
0xba: {  	s0 =	sor.u32 s3, s0;
	s1 =	sshll.u32 s1, $0x11  }
0xbb: {  	s0 =	sor.u32 s1, s0  }
0xbc: {  	s0 =	sadd.s32 $0x8F2B, s0  }
0xbd: {  	[sflag:s0] =	ssyncadd.remote.s32 $0x1  }
0xbe: {  	_ =	sfence.sel $0xFFFF  }
0xbf: {  	[dreg:$0x0] =	wrdreg $0xFFFFFFFF;
	(pc) =	sbr.abs _section_cstart, $3  }
0xc0: {  	[dreg:$0x1] =	wrdreg $0xFFFFFFFF  }
0xc1: {  	_ =	task.clear_ibuf [dreg:s7], $0x2FFFF;
	_ =	strace $0x9FFFFFFF  }
0xc2: {  	(tm) =	ssettm $0x7FFFFFFF  }
0xc3: {  	_ =	shalt  }
tec
execute0_lowered:
.L_overlay_start_1:
0x0: {  	(tag) =	ssettag $0x1  }
0x1: {  	s1 =	srdreg.scid  }
0x2: {  	s3 =	rddreg [dreg:$0x0];
	s0 =	stileid.u32  }
0x3: {  	s5 =	rddreg [dreg:$0x1];
	s2 =	simm.s32 $0x0;
	s8 =	simm.s32 $0x80  }
0x4: {  	s26 =	simm.s32 $0x880;
	s9 =	simm.s32 $0x1080;
	s10 =	simm.s32 $0x1880  }
0x5: {  	s11 =	simm.s32 $0x2080;
	s12 =	simm.s32 $0x2880;
	s13 =	simm.s32 $0x3080  }
0x6: {  	s14 =	simm.s32 $0x3880;
	s15 =	simm.s32 $0x4080;
	s16 =	simm.s32 $0x4880  }
0x7: {  	s17 =	simm.s32 $0x5080;
	s18 =	simm.s32 $0x5880;
	s19 =	simm.s32 $0x6080  }
0x8: {  	s20 =	simm.s32 $0x6880;
	s21 =	simm.s32 $0x7080;
	s22 =	simm.s32 $0x7880  }
0x9: {  	s23 =	simm.s32 $0x8080;
	s24 =	simm.s32 $0x8880;
	s25 =	simm.s32 $0x9080  }
0xa: {  	s28 =	simm.s32 $0xA080;
	s29 =	simm.s32 $0xA880;
	s30 =	simm.s32 $0xB080  }
0xb: {  	s31 =	simm.s32 $0xB880;
	s1 =	sand.u32 $0x1, s1;
	[smem:$0x7FF] =	sst s2  }
0xc: {  	s4 =	sshll.u32 s0, $0x4;
	s6 =	sshll.u32 s1, $0x3;
	_ =	strace $0x80000047  }
0xd: {  	s1 =	ssub.s32 $0x2, s1;
	[dreg:$0x5] =	wrdreg s26;
	s4 =	sor.u32 s6, s4  }
0xe: {  	s7 =	sshrl.u32 s1, $0x1;
	s6 =	sadd.s32 s4, s5;
	s4 =	smul.u32 $0x300, s4  }
0xf: {  	s26 =	simm.s32 $0x9880;
	s1 =	ssub.s32 s1, s7;
	s6 =	sadd.s32 $0x1400, s6  }
0x10: {  	v2 =	vlaneseq.u32;
	s7 =	simm.s32 $0x2;
	[dreg:$0x3] =	wrdreg s6;
	s4 =	sadd.s32 s3, s4  }
0x11: {  	vm0 =	vmmov $0xffff;
	v1 =	vshrl.u32 v2, $0x3;
	s3 =	sadd.s32 $0x1600, s5;
	s6 =	smax.u32 s1, $0x1;
	s1 =	simm.s32 $0x1  }
0x12: {  	v0 =	vand.u32 $0x7, v2;
	v2 =	vor.u32 $0x8, v2;
	v1 =	vmul.u32 $0x8, v1;
	[dreg:$0x4] =	wrdreg s4;
	s4 =	sadd.s32 $0x1700, s5;
	s5 =	sadd.s32 $0x1800, s5  }
.LBB2_1:
0x13: {  	s0 =	rddreg [dreg:$0x3]  }
0x14: {  	[tilespmem:s2], [sflag:$0x2] =	stream.linear.gather [hbm4b:s0+s2], $0x40, $0x38;
	[tilespmem:$0xC080] =	vst v63  }
0x15: {  	_ =	swait.ge [sflag:s7], $0x40  }
0x16: {  	[sflag:s7] =	ssyncset.done $0x0  }
0x17: {  	s0 =	rddreg [dreg:$0x4];
	[sflag:s7] =	ssyncadd.s32 $0xFFFFFFC0  }
0x18: {  	[tilespmem:s8], [sflag:$0x2] =	stream.linear.gather [hbm4b:s0+s2], $0xC000, $0x38;
	[tilespmem:$0xC080] =	vst v63  }
0x19: {  	_ =	swait.ge [sflag:s7], $0xC000  }
0x1a: {  	[sflag:s7] =	ssyncset.done $0x0  }
0x1b: {  	[sflag:s7] =	ssyncadd.s32 $0xFFFF4000  }
0x1c: {  	v3 =	vld [tilespmem:$0x0];
	_ =	sdelay $0x4  }
0x1d: {  	v4 =	vshrl.u32 v3, $0x3  }
0x1e: {  	v4 =	vmul.u32 $0x30, v4  }
0x1f: {  	v3 =	vand.u32 $0x7, v3  }
0x20: {  	v3 =	vor.u32 v3, v4  }
0x21: {  	v4 =	vperm.xlane v3, v0;
	_ =	sdelay $0x1  }
0x22: {  	v4 =	vadd.s32 v1, v4;
	_ =	sdelay $0x3  }
0x23: {  	v3 =	vperm.xlane v3, v2  }
0x24: {  	[hbm4b:s3+s2] =	stream.indirect_vreg.scatter [tilespmem:s8], [sflag:$0x1], $0x80, v4, vm0, $0xb8;
	[tilespmem:$0xC080] =	vst v63  }
0x25: {  	s0 =	rddreg [dreg:$0x5];
	v3 =	vadd.s32 v1, v3  }
0x26: {  	[hbm4b:s4+s2] =	stream.indirect_vreg.scatter [tilespmem:s0], [sflag:$0x1], $0x80, v4, vm0, $0xb8;
	[tilespmem:$0xC080] =	vst v63  }
0x27: {  	_ = 	snop  }
0x28: {  	[hbm4b:s5+s2] =	stream.indirect_vreg.scatter [tilespmem:s9], [sflag:$0x1], $0x80, v4, vm0, $0xb8;
	[tilespmem:$0xC080] =	vst v63  }
0x29: {  	_ = 	snop  }
0x2a: {  	[hbm4b:s3+s2] =	stream.indirect_vreg.scatter [tilespmem:s10], [sflag:$0x1], $0x80, v3, vm0, $0xb8;
	[tilespmem:$0xC080] =	vst v63  }
0x2b: {  	_ = 	snop  }
0x2c: {  	[hbm4b:s4+s2] =	stream.indirect_vreg.scatter [tilespmem:s11], [sflag:$0x1], $0x80, v3, vm0, $0xb8;
	[tilespmem:$0xC080] =	vst v63  }
0x2d: {  	_ = 	snop  }
0x2e: {  	[hbm4b:s5+s2] =	stream.indirect_vreg.scatter [tilespmem:s12], [sflag:$0x1], $0x80, v3, vm0, $0xb8;
	[tilespmem:$0xC080] =	vst v63  }
0x2f: {  	v3 =	vld [tilespmem:$0x10];
	_ =	sdelay $0x4  }
0x30: {  	v61 =	vshrl.u32 v3, $0x3  }
0x31: {  	v4 =	vmul.u32 $0x30, v61  }
0x32: {  	v3 =	vand.u32 $0x7, v3  }
0x33: {  	v3 =	vor.u32 v3, v4  }
0x34: {  	v4 =	vperm.xlane v3, v0;
	_ =	sdelay $0x1  }
0x35: {  	v4 =	vadd.s32 v1, v4;
	_ =	sdelay $0x3  }
0x36: {  	v3 =	vperm.xlane v3, v2  }
0x37: {  	[hbm4b:s3+s2] =	stream.indirect_vreg.scatter [tilespmem:s13], [sflag:$0x1], $0x80, v4, vm0, $0xb8;
	[tilespmem:$0xC080] =	vst v63  }
0x38: {  	v3 =	vadd.s32 v1, v3  }
0x39: {  	[hbm4b:s4+s2] =	stream.indirect_vreg.scatter [tilespmem:s14], [sflag:$0x1], $0x80, v4, vm0, $0xb8;
	[tilespmem:$0xC080] =	vst v63  }
0x3a: {  	_ = 	snop  }
0x3b: {  	[hbm4b:s5+s2] =	stream.indirect_vreg.scatter [tilespmem:s15], [sflag:$0x1], $0x80, v4, vm0, $0xb8;
	[tilespmem:$0xC080] =	vst v63  }
0x3c: {  	_ = 	snop  }
0x3d: {  	[hbm4b:s3+s2] =	stream.indirect_vreg.scatter [tilespmem:s16], [sflag:$0x1], $0x80, v3, vm0, $0xb8;
	[tilespmem:$0xC080] =	vst v63  }
0x3e: {  	_ = 	snop  }
0x3f: {  	[hbm4b:s4+s2] =	stream.indirect_vreg.scatter [tilespmem:s17], [sflag:$0x1], $0x80, v3, vm0, $0xb8;
	[tilespmem:$0xC080] =	vst v63  }
0x40: {  	_ = 	snop  }
0x41: {  	[hbm4b:s5+s2] =	stream.indirect_vreg.scatter [tilespmem:s18], [sflag:$0x1], $0x80, v3, vm0, $0xb8;
	[tilespmem:$0xC080] =	vst v63  }
0x42: {  	v3 =	vld [tilespmem:$0x20];
	_ =	sdelay $0x4  }
0x43: {  	v62 =	vshrl.u32 v3, $0x3  }
0x44: {  	v4 =	vmul.u32 $0x30, v62  }
0x45: {  	v3 =	vand.u32 $0x7, v3  }
0x46: {  	v3 =	vor.u32 v3, v4  }
0x47: {  	v4 =	vperm.xlane v3, v0;
	_ =	sdelay $0x1  }
0x48: {  	v4 =	vadd.s32 v1, v4;
	_ =	sdelay $0x3  }
0x49: {  	v3 =	vperm.xlane v3, v2  }
0x4a: {  	[hbm4b:s3+s2] =	stream.indirect_vreg.scatter [tilespmem:s19], [sflag:$0x1], $0x80, v4, vm0, $0xb8;
	[tilespmem:$0xC080] =	vst v63  }
0x4b: {  	v3 =	vadd.s32 v1, v3  }
0x4c: {  	[hbm4b:s4+s2] =	stream.indirect_vreg.scatter [tilespmem:s20], [sflag:$0x1], $0x80, v4, vm0, $0xb8;
	[tilespmem:$0xC080] =	vst v63  }
0x4d: {  	_ = 	snop  }
0x4e: {  	[hbm4b:s5+s2] =	stream.indirect_vreg.scatter [tilespmem:s21], [sflag:$0x1], $0x80, v4, vm0, $0xb8;
	[tilespmem:$0xC080] =	vst v63  }
0x4f: {  	_ = 	snop  }
0x50: {  	[hbm4b:s3+s2] =	stream.indirect_vreg.scatter [tilespmem:s22], [sflag:$0x1], $0x80, v3, vm0, $0xb8;
	[tilespmem:$0xC080] =	vst v63  }
0x51: {  	_ = 	snop  }
0x52: {  	[hbm4b:s4+s2] =	stream.indirect_vreg.scatter [tilespmem:s23], [sflag:$0x1], $0x80, v3, vm0, $0xb8;
	[tilespmem:$0xC080] =	vst v63  }
0x53: {  	_ = 	snop  }
0x54: {  	[hbm4b:s5+s2] =	stream.indirect_vreg.scatter [tilespmem:s24], [sflag:$0x1], $0x80, v3, vm0, $0xb8;
	[tilespmem:$0xC080] =	vst v63  }
0x55: {  	v3 =	vld [tilespmem:$0x30];
	_ =	sdelay $0x4  }
0x56: {  	v63 =	vshrl.u32 v3, $0x3  }
0x57: {  	v4 =	vmul.u32 $0x30, v63  }
0x58: {  	v3 =	vand.u32 $0x7, v3  }
0x59: {  	v3 =	vor.u32 v3, v4  }
0x5a: {  	v4 =	vperm.xlane v3, v0;
	_ =	sdelay $0x1  }
0x5b: {  	v4 =	vadd.s32 v1, v4;
	_ =	sdelay $0x3  }
0x5c: {  	v3 =	vperm.xlane v3, v2  }
0x5d: {  	[hbm4b:s3+s2] =	stream.indirect_vreg.scatter [tilespmem:s25], [sflag:$0x1], $0x80, v4, vm0, $0xb8;
	[tilespmem:$0xC080] =	vst v63  }
0x5e: {  	v3 =	vadd.s32 v1, v3  }
0x5f: {  	[hbm4b:s4+s2] =	stream.indirect_vreg.scatter [tilespmem:s26], [sflag:$0x1], $0x80, v4, vm0, $0xb8;
	[tilespmem:$0xC080] =	vst v63  }
0x60: {  	_ = 	snop  }
0x61: {  	[hbm4b:s5+s2] =	stream.indirect_vreg.scatter [tilespmem:s28], [sflag:$0x1], $0x80, v4, vm0, $0xb8;
	[tilespmem:$0xC080] =	vst v63  }
0x62: {  	_ = 	snop  }
0x63: {  	[hbm4b:s3+s2] =	stream.indirect_vreg.scatter [tilespmem:s29], [sflag:$0x1], $0x80, v3, vm0, $0xb8;
	[tilespmem:$0xC080] =	vst v63  }
0x64: {  	p0 =	sne.s32 s6, $0x1  }
0x65: {  	[hbm4b:s4+s2] =	stream.indirect_vreg.scatter [tilespmem:s30], [sflag:$0x1], $0x80, v3, vm0, $0xb8;
	[tilespmem:$0xC080] =	vst v63  }
.Ltmp0:
0x66: {  	_ = 	snop;
	(pc) =	sbr.rel @p0 .LBB2_1-.Ltmp0, $4  }
0x67: {  	[hbm4b:s5+s2] =	stream.indirect_vreg.scatter [tilespmem:s31], [sflag:$0x1], $0x80, v3, vm0, $0xb8;
	[tilespmem:$0xC080] =	vst v63  }
0x68: {  	_ =	swait.ge [sflag:s1], $0xC000  }
0x69: {  	[sflag:s1] =	ssyncset.done $0x0  }
0x6a: {  	s6 =	sadd.s32 $0xFFFFFFFF, s6;
	[sflag:s1] =	ssyncadd.s32 $0xFFFF4000  }
0x6b: {  	_ =	sfence.sel $0x180000  }
0x6c: {  	[bflag:$0x0] =	sbarrier.arrive $0xFFFF  }
0x6d: {  	_ =	strace $0x90000047  }
0x6e: {  	s0 =	stileid.u32;
	[bflag:$0x2] =	sbarrier.arrive $0xFFFF  }
0x6f: {  	p0 =	sne.s32 s0, $0x0;
	s0 =	rddreg [dreg:$0x2]  }
0x70: {  	s0 =	sadd.s32 @!p0 $0x100000, s0  }
0x71: {  	[sflag:s0] =	ssyncadd.tile.s32 @!p0 $0x1;
	_ =	shalt  }
.Lfunc_end2:
_tile_overlayer_lowered:
.L_overlay_start_2:
0x72: {  	(tag) =	ssettag $0x2  }
0x73: {  	s0 =	rddreg [dreg:$0x0];
	s2 =	stileid.u32  }
0x74: {  	s1 =	rddreg [dreg:$0x1];
	p0 =	sne.s32 s2, $0x0  }
0x75: {  	s3 =	rddreg [dreg:$0x2];
	[bflag:$0x3] =	sbarrier.arrive $0xFFFF;
	s2 =	simm.s32 @!p0 $0x1C02  }
0x76: {  	[timem:s3], [sflag:s2] =	dma.local @!p0 [hbm:s0], s1  }
0x77: {  	s0 =	simm.s32 @!p0 $0x2  }
0x78: {  	_ =	swait.ge @!p0 [sflag:s0], s1  }
0x79: {  	s1 =	ssub.s32 @!p0 $0x0, s1;
	[sflag:s0] =	ssyncset.done @!p0 $0x0  }
0x7a: {  	[sflag:s0] =	ssyncadd.s32 @!p0 s1  }
0x7b: {  	[bflag:$0x3] =	sbarrier.arrive $0xFFFF  }
0x7c: {  	_ =	shalt  }

// kernel: kernel.9.cloned.1.call-start
scs
__scs_entry_jumppad:
0x0: {  	(pc) =	sbr.rel $0x88, $3  }
0x1: {  	(tag) =	ssettag $0x0;
	lr =	simm.s32 $0x1  }
0x2: {  	[smem:$0x3F9C] =	sst lr;
	_ =	strace $0xD0000000  }
0x3: {  	_ = 	snop  }
0x4: {  	_ = 	snop  }
0x5: {  	_ = 	snop  }
0x6: {  	_ = 	snop  }
0x7: {  	_ = 	snop  }
__scs_overlays_trampoline_lowered:
0x8: {  	[smem:$0x3FAB] =	sst s0  }
0x9: {  	[smem:$0x3FAC] =	sst s1  }
0xa: {  	[smem:$0x3FAD] =	sst s2  }
0xb: {  	[smem:$0x3FAE] =	sst s3  }
0xc: {  	[smem:$0x3FAF] =	sst s4  }
0xd: {  	[smem:$0x3FB0] =	sst s5  }
0xe: {  	[smem:$0x3FB1] =	sst s6  }
0xf: {  	[smem:$0x3FB2] =	sst s7  }
0x10: {  	[smem:$0x3FB3] =	sst s8  }
0x11: {  	[smem:$0x3FB4] =	sst s9;
	s0 =	simm.s32 @!p0 $0x0  }
0x12: {  	s1 =	sld [smem:$0x3F9A];
	s0 =	simm.s32 @p0 $0x1  }
0x13: {  	[smem:$0x3FB5] =	sst s0;
	s0 =	simm.s32 @!p1 $0x0  }
0x14: {  	s2 =	sld [smem:$0x3F99];
	s0 =	simm.s32 @p1 $0x1  }
0x15: {  	[smem:$0x3FB6] =	sst s0;
	s0 =	simm.s32 @!p2 $0x0  }
0x16: {  	s3 =	sld [smem:$0x3FDB];
	s0 =	simm.s32 @p2 $0x1  }
0x17: {  	s4 =	simm.s32 $0x1BF5;
	[smem:$0x3FB8] =	sst s0  }
0x18: {  	s0 =	sld [smem:$0x3F9B];
	_ =	swait.ge [sflag:s4], $0x0  }
0x19: {  	s7 =	sld [smem:$0x3F9C]  }
0x1a: {  	s8 =	sadd.s32 $0xFFFFE003, lr  }
0x1b: {  	s9 =	sadd.s32 $0xFFFFFEF7, lr;
	s5 =	simm.s32 $0xFFFFFFFF;
	p2 =	slt.u32 s8, $0xFFFFF086  }
0x1c: {  	p1 =	slt.u32 s9, $0xF7A;
	s5 =	simm.s32 @!p2 $0x0  }
0x1d: {  	s5 =	simm.s32 @p1 $0x1;
	p0 =	seq.s32 s7, s2  }
0x1e: {  	s7 =	smul.u32 @!p0 $0xF7A, s2;
	p2 =	seq.s32 @!p0 s5, $0x0  }
0x1f: {  	s9 =	smul.u32 $0xF7A, s1;
	s8 =	simm.s32 @!p0 $0x1BF5;
	p2 =	por !p2, p0  }
0x20: {  	[sflag:s8] =	ssyncset.s32 @!p0 $0xFFFFF086;
	s6 =	sadd.s32 @!p0 s3, s7;
	s7 =	simm.s32 @!p0 $0x108  }
0x21: {  	s3 =	sadd.s32 s3, s9;
	s6 =	sadd.s32 @!p0 $0x88, s6;
	s7 =	simm.s32 @p2 $0x1082  }
0x22: {  	[simem:s7], [sflag:s8] =	dma.local @!p0 [hbm:s6], $0xF7A  }
0x23: {  	s9 =	sor.u32 $0xD0000000, s2;
	s6 =	simm.s32 $0x108;
	_ =	swait.ge @!p0 [sflag:s8], $0x0  }
0x24: {  	s3 =	sadd.s32 $0x88, s3;
	s6 =	simm.s32 @!p1 $0x1082;
	[sflag:s4] =	ssyncset.s32 $0xFFFFF086  }
0x25: {  	[simem:s6], [sflag:s4] =	dma.local [hbm:s3], $0xF7A  }
0x26: {  	[smem:$0x3F9C] =	sst s1;
	(tag) =	ssettag s2;
	_ =	strace s9  }
0x27: {  	s1 =	sld [smem:$0x3FAC]  }
0x28: {  	s2 =	sld [smem:$0x3FAD]  }
0x29: {  	s4 =	sld [smem:$0x3FAF]  }
0x2a: {  	p0 =	seq.s32 s5, $0x0;
	s5 =	sld [smem:$0x3FB0]  }
0x2b: {  	s6 =	sld [smem:$0x3FB1]  }
0x2c: {  	s7 =	sld [smem:$0x3FB2]  }
0x2d: {  	s3 =	simm.s32 $0x108;
	s8 =	sld [smem:$0x3FB3]  }
0x2e: {  	s3 =	simm.s32 @!p0 $0x1082;
	s9 =	sld [smem:$0x3FB4]  }
0x2f: {  	lr =	sadd.s32 s0, s3;
	s0 =	sld [smem:$0x3FAB]  }
0x30: {  	s3 =	sld [smem:$0x3FAE]  }
0x31: {  	[smem:$0x3FB7] =	sst s10  }
0x32: {  	s10 =	sld [smem:$0x3FB5];
	_ =	sdelay $0x3  }
0x33: {  	p0 =	seq.s32 s10, $0x1;
	s10 =	sld [smem:$0x3FB7];
	_ =	sdelay $0x3  }
0x34: {  	[smem:$0x3FB7] =	sst s10  }
0x35: {  	s10 =	sld [smem:$0x3FB6];
	_ =	sdelay $0x3  }
0x36: {  	p1 =	seq.s32 s10, $0x1;
	s10 =	sld [smem:$0x3FB7];
	_ =	sdelay $0x3  }
0x37: {  	[smem:$0x3FB7] =	sst s10  }
0x38: {  	s10 =	sld [smem:$0x3FB8]  }
0x39: {  	_ = 	snop;
	(pc) =	sbr.ind lr, $3  }
0x3a: {  	_ = 	snop  }
0x3b: {  	_ = 	snop  }
0x3c: {  	p2 =	seq.s32 s10, $0x1;
	s10 =	sld [smem:$0x3FB7]  }
0x3d: {  	_ =	shalt  }
0x3e: {  	_ =	shalt  }
0x3f: {  	_ =	shalt  }
0x40: {  	_ =	shalt  }
0x41: {  	_ =	shalt  }
0x42: {  	_ =	shalt  }
0x43: {  	_ =	shalt  }
0x44: {  	_ =	shalt  }
0x45: {  	_ =	shalt  }
0x46: {  	_ =	shalt  }
0x47: {  	_ =	shalt  }
0x48: {  	_ =	shalt  }
0x49: {  	_ =	shalt  }
0x4a: {  	_ =	shalt  }
0x4b: {  	_ =	shalt  }
0x4c: {  	_ =	shalt  }
0x4d: {  	_ =	shalt  }
0x4e: {  	_ =	shalt  }
0x4f: {  	_ =	shalt  }
0x50: {  	_ =	shalt  }
0x51: {  	_ =	shalt  }
0x52: {  	_ =	shalt  }
0x53: {  	_ =	shalt  }
0x54: {  	_ =	shalt  }
0x55: {  	_ =	shalt  }
0x56: {  	_ =	shalt  }
0x57: {  	_ =	shalt  }
0x58: {  	_ =	shalt  }
0x59: {  	_ =	shalt  }
0x5a: {  	_ =	shalt  }
0x5b: {  	_ =	shalt  }
0x5c: {  	_ =	shalt  }
0x5d: {  	_ =	shalt  }
0x5e: {  	_ =	shalt  }
0x5f: {  	_ =	shalt  }
0x60: {  	_ =	shalt  }
0x61: {  	_ =	shalt  }
0x62: {  	_ =	shalt  }
0x63: {  	_ =	shalt  }
0x64: {  	_ =	shalt  }
0x65: {  	_ =	shalt  }
0x66: {  	_ =	shalt  }
0x67: {  	_ =	shalt  }
0x68: {  	_ =	shalt  }
0x69: {  	_ =	shalt  }
0x6a: {  	_ =	shalt  }
0x6b: {  	_ =	shalt  }
0x6c: {  	_ =	shalt  }
0x6d: {  	_ =	shalt  }
0x6e: {  	_ =	shalt  }
0x6f: {  	_ =	shalt  }
0x70: {  	_ =	shalt  }
0x71: {  	_ =	shalt  }
0x72: {  	_ =	shalt  }
0x73: {  	_ =	shalt  }
0x74: {  	_ =	shalt  }
0x75: {  	_ =	shalt  }
0x76: {  	_ =	shalt  }
0x77: {  	_ =	shalt  }
0x78: {  	_ =	shalt  }
0x79: {  	_ =	shalt  }
0x7a: {  	_ =	shalt  }
0x7b: {  	_ =	shalt  }
0x7c: {  	_ =	shalt  }
0x7d: {  	_ =	shalt  }
0x7e: {  	_ =	shalt  }
0x7f: {  	_ =	shalt  }
0x80: {  	_ =	shalt  }
0x81: {  	_ =	shalt  }
0x82: {  	_ =	shalt  }
0x83: {  	_ =	shalt  }
0x84: {  	_ =	shalt  }
0x85: {  	_ =	shalt  }
0x86: {  	_ =	shalt  }
0x87: {  	_ =	shalt  }
.Lfunc_end0:
.L_simem_size_0:
called_computation.1_lowered:
.L_overlay_start_0:
0x88: {  	s2 =	sld [smem:$0x3FD9]  }
0x89: {  	s3 =	sld [smem:$0x3FFE];
	_ =	sdelay $0x1  }
0x8a: {  	s1 =	srdreg.scid  }
0x8b: {  	s0 =	sand.u32 $0x1, s1  }
0x8c: {  	s17 =	sshll.u32 s0, $0xA;
	s2 =	sadd.s32 s3, s2  }
0x8d: {  	s2 =	sadd.s32 s2, s17  }
0x8e: {  	[smem:$0x3FC3] =	sst s2  }
0x8f: {  	_ = 	snop  }
0x90: {  	s2 =	sld [smem:$0x3FD0];
	(tm) =	ssettm $0x1  }
0x91: {  	s18 =	sld [smem:$0x3FFB];
	_ =	sdelay $0x3  }
0x92: {  	_ =	strace s18  }
0x93: {  	s3 =	sld [smem:$0x3FFC];
	_ =	sdelay $0x3  }
0x94: {  	_ =	strace s3  }
0x95: {  	s3 =	sld [smem:$0x3FFD];
	_ =	sdelay $0x3  }
0x96: {  	_ =	strace s3  }
0x97: {  	_ =	strace $0x8FFFFFFF  }
0x98: {  	s19 =	sld [smem:$0x3FDB];
	_ =	sdelay $0x1  }
0x99: {  	s4 =	simm.s32 $_scs_section_size  }
0x9a: {  	s5 =	simm.s32 $_size__tile_overlayer_lowered;
	s6 =	simm.s32 $_tile_overlayer_lowered  }
0x9b: {  	s22 =	simm.s32 $0x1BFF;
	s21 =	sshll.u32 s6, $0x1;
	s3 =	sadd.s32 s4, s19  }
0x9c: {  	s7 =	simm.s32 $0x0;
	s20 =	sshll.u32 s5, $0x1;
	s5 =	sadd.s32 s21, s3  }
0x9d: {  	[timem:s7], [sflag:s22] =	dma.local [hbm:s5], s20  }
0x9e: {  	_ =	swait.ge [sflag:s22], s20  }
0x9f: {  	s4 =	ssub.s32 $0x0, s20;
	[sflag:s22] =	ssyncset.done $0x0  }
0xa0: {  	[sflag:s22] =	ssyncadd.s32 s4;
	_ =	sdelay $0x1  }
0xa1: {  	s23 =	simm.s32 $0x1B8B  }
0xa2: {  	_ =	swait.ge [sflag:s23], $0x1  }
0xa3: {  	[sflag:s23] =	ssyncset.done $0x0  }
0xa4: {  	s25 =	simm.s32 $0x1B8E;
	s24 =	sld [smem:$0x3FFE];
	[sflag:s23] =	ssyncadd.s32 $0xFFFFFFFF  }
0xa5: {  	s26 =	simm.s32 $execute0_lowered;
	[smem:$0x3FD2] =	sst s25  }
0xa6: {  	s5 =	sshll.u32 s26, $0x1;
	_ =	strace $0x80000049;
	[dreg:$0x1] =	wrdreg $0xFFFFFFFF  }
0xa7: {  	s28 =	simm.s32 $_size_execute0_lowered;
	s3 =	sadd.s32 s3, s5;
	[dreg:$0x0] =	wrdreg $0x0  }
0xa8: {  	s5 =	sshll.u32 s28, $0x1;
	[dreg:$0x2] =	wrdreg s3  }
0xa9: {  	[dreg:$0x3] =	wrdreg s5  }
0xaa: {  	[dreg:$0x4] =	wrdreg $0xC0  }
0xab: {  	_ =	task [dreg:s7], $0x5FFFF  }
0xac: {  	[dreg:$0x1] =	wrdreg $0xFFFFFFFF  }
0xad: {  	[dreg:$0x0] =	wrdreg $0x60  }
0xae: {  	[dreg:$0x2] =	wrdreg s24  }
0xaf: {  	[dreg:$0x3] =	wrdreg s2  }
0xb0: {  	[dreg:$0x4] =	wrdreg $0x9  }
0xb1: {  	_ =	task.clear_ibuf [dreg:s7], $0x5FFFF;
	_ =	strace $0x90000049  }
0xb2: {  	s29 =	simm.s32 $0x9;
	_ =	strace $0x8000004B  }
0xb3: {  	_ =	swait.ge [sflag:s29], $0x1  }
0xb4: {  	[sflag:s29] =	ssyncadd.s32 $0xFFFFFFFF  }
0xb5: {  	_ =	strace $0x9000004B  }
0xb6: {  	_ =	sfence  }
0xb7: {  	s30 =	sld [smem:$0x0];
	_ =	sdelay $0x2  }
0xb8: {  	s31 =	sshll.u32 s1, $0xD;
	s1 =	sshrl.u32 s1, $0x2  }
0xb9: {  	s3 =	sand.u32 $0x4000, s31;
	s1 =	sadd.s32 s1, s30  }
0xba: {  	s0 =	sor.u32 s3, s0;
	s1 =	sshll.u32 s1, $0x11  }
0xbb: {  	s0 =	sor.u32 s1, s0  }
0xbc: {  	s0 =	sadd.s32 $0x8F2B, s0  }
0xbd: {  	[sflag:s0] =	ssyncadd.remote.s32 $0x1  }
0xbe: {  	_ =	sfence.sel $0xFFFF  }
0xbf: {  	[dreg:$0x0] =	wrdreg $0xFFFFFFFF;
	(pc) =	sbr.abs _section_cstart, $3  }
0xc0: {  	[dreg:$0x1] =	wrdreg $0xFFFFFFFF  }
0xc1: {  	_ =	task.clear_ibuf [dreg:s7], $0x2FFFF;
	_ =	strace $0x9FFFFFFF  }
0xc2: {  	(tm) =	ssettm $0x7FFFFFFF  }
0xc3: {  	_ =	shalt  }
tec
execute0_lowered:
.L_overlay_start_1:
0x0: {  	(tag) =	ssettag $0x1  }
0x1: {  	s0 =	rddreg [dreg:$0x0]  }
0x2: {  	s5 =	rddreg [dreg:$0x1];
	s3 =	srdreg.scid  }
0x3: {  	s2 =	simm.s32 $0x0;
	s1 =	stileid.u32;
	s26 =	simm.s32 $0x880  }
0x4: {  	s10 =	simm.s32 $0x1880;
	s11 =	simm.s32 $0x2080;
	s12 =	simm.s32 $0x2880  }
0x5: {  	s13 =	simm.s32 $0x3080;
	s14 =	simm.s32 $0x3880;
	s15 =	simm.s32 $0x4080  }
0x6: {  	s16 =	simm.s32 $0x4880;
	s17 =	simm.s32 $0x5080;
	s18 =	simm.s32 $0x5880  }
0x7: {  	s19 =	simm.s32 $0x6080;
	s20 =	simm.s32 $0x6880;
	s21 =	simm.s32 $0x7080  }
0x8: {  	s22 =	simm.s32 $0x7880;
	s28 =	simm.s32 $0xA080;
	s29 =	simm.s32 $0xA880  }
0x9: {  	s30 =	simm.s32 $0xB080;
	s31 =	simm.s32 $0xB880;
	s3 =	sand.u32 $0x1, s3  }
0xa: {  	[smem:$0x7FF] =	sst s2;
	s4 =	sshll.u32 s1, $0x4;
	s6 =	sshll.u32 s3, $0x3  }
0xb: {  	_ =	strace $0x8000004A;
	s23 =	ssub.s32 $0x2, s3;
	s3 =	sadd.s32 $0x1600, s0  }
0xc: {  	[dreg:$0x5] =	wrdreg s26;
	s26 =	simm.s32 $0x9880;
	s4 =	sor.u32 s6, s4  }
0xd: {  	s8 =	sshrl.u32 s23, $0x1;
	s7 =	sadd.s32 s4, s0;
	s9 =	smul.u32 $0x300, s4  }
0xe: {  	s6 =	ssub.s32 s23, s8;
	s4 =	sadd.s32 $0x1700, s0;
	s8 =	simm.s32 $0x80  }
0xf: {  	s23 =	simm.s32 $0x8080;
	s24 =	sadd.s32 $0x1400, s7;
	s6 =	smax.u32 s6, $0x1  }
0x10: {  	v2 =	vlaneseq.u32;
	s7 =	simm.s32 $0x2;
	[dreg:$0x3] =	wrdreg s24;
	s25 =	sadd.s32 s5, s9  }
0x11: {  	vm0 =	vmmov $0xffff;
	v1 =	vshrl.u32 v2, $0x3;
	s5 =	sadd.s32 $0x1800, s0;
	s9 =	simm.s32 $0x1080;
	s24 =	simm.s32 $0x8880  }
0x12: {  	v0 =	vand.u32 $0x7, v2;
	v2 =	vor.u32 $0x8, v2;
	v1 =	vmul.u32 $0x8, v1;
	s0 =	simm.s32 $0x1;
	[dreg:$0x4] =	wrdreg s25;
	s25 =	simm.s32 $0x9080  }
.LBB2_1:
0x13: {  	s1 =	rddreg [dreg:$0x3]  }
0x14: {  	[tilespmem:s2], [sflag:$0x2] =	stream.linear.gather [hbm4b:s1+s2], $0x40, $0x38;
	[tilespmem:$0xC080] =	vst v63  }
0x15: {  	_ =	swait.ge [sflag:s7], $0x40  }
0x16: {  	[sflag:s7] =	ssyncset.done $0x0  }
0x17: {  	[sflag:s7] =	ssyncadd.s32 $0xFFFFFFC0  }
0x18: {  	v3 =	vld [tilespmem:$0x0];
	_ =	sdelay $0x4  }
0x19: {  	v4 =	vshrl.u32 v3, $0x3  }
0x1a: {  	v4 =	vmul.u32 $0x30, v4  }
0x1b: {  	v3 =	vand.u32 $0x7, v3  }
0x1c: {  	v3 =	vor.u32 v3, v4  }
0x1d: {  	v4 =	vperm.xlane v3, v0;
	_ =	sdelay $0x1  }
0x1e: {  	v4 =	vadd.s32 v1, v4;
	_ =	sdelay $0x3  }
0x1f: {  	v3 =	vperm.xlane v3, v2  }
0x20: {  	[tilespmem:s8], [sflag:$0x1] =	stream.indirect_vreg.gather [hbm4b:s3+s2], $0x80, v4, vm0, $0xb8;
	[tilespmem:$0xC080] =	vst v63  }
0x21: {  	s1 =	rddreg [dreg:$0x5];
	v3 =	vadd.s32 v1, v3  }
0x22: {  	[tilespmem:s1], [sflag:$0x1] =	stream.indirect_vreg.gather [hbm4b:s4+s2], $0x80, v4, vm0, $0xb8;
	[tilespmem:$0xC080] =	vst v63  }
0x23: {  	_ = 	snop  }
0x24: {  	[tilespmem:s9], [sflag:$0x1] =	stream.indirect_vreg.gather [hbm4b:s5+s2], $0x80, v4, vm0, $0xb8;
	[tilespmem:$0xC080] =	vst v63  }
0x25: {  	_ = 	snop  }
0x26: {  	[tilespmem:s10], [sflag:$0x1] =	stream.indirect_vreg.gather [hbm4b:s3+s2], $0x80, v3, vm0, $0xb8;
	[tilespmem:$0xC080] =	vst v63  }
0x27: {  	_ = 	snop  }
0x28: {  	[tilespmem:s11], [sflag:$0x1] =	stream.indirect_vreg.gather [hbm4b:s4+s2], $0x80, v3, vm0, $0xb8;
	[tilespmem:$0xC080] =	vst v63  }
0x29: {  	_ = 	snop  }
0x2a: {  	[tilespmem:s12], [sflag:$0x1] =	stream.indirect_vreg.gather [hbm4b:s5+s2], $0x80, v3, vm0, $0xb8;
	[tilespmem:$0xC080] =	vst v63  }
0x2b: {  	v3 =	vld [tilespmem:$0x10];
	_ =	sdelay $0x4  }
0x2c: {  	v61 =	vshrl.u32 v3, $0x3  }
0x2d: {  	v4 =	vmul.u32 $0x30, v61  }
0x2e: {  	v3 =	vand.u32 $0x7, v3  }
0x2f: {  	v3 =	vor.u32 v3, v4  }
0x30: {  	v4 =	vperm.xlane v3, v0;
	_ =	sdelay $0x1  }
0x31: {  	v4 =	vadd.s32 v1, v4;
	_ =	sdelay $0x3  }
0x32: {  	v3 =	vperm.xlane v3, v2  }
0x33: {  	[tilespmem:s13], [sflag:$0x1] =	stream.indirect_vreg.gather [hbm4b:s3+s2], $0x80, v4, vm0, $0xb8;
	[tilespmem:$0xC080] =	vst v63  }
0x34: {  	v3 =	vadd.s32 v1, v3  }
0x35: {  	[tilespmem:s14], [sflag:$0x1] =	stream.indirect_vreg.gather [hbm4b:s4+s2], $0x80, v4, vm0, $0xb8;
	[tilespmem:$0xC080] =	vst v63  }
0x36: {  	_ = 	snop  }
0x37: {  	[tilespmem:s15], [sflag:$0x1] =	stream.indirect_vreg.gather [hbm4b:s5+s2], $0x80, v4, vm0, $0xb8;
	[tilespmem:$0xC080] =	vst v63  }
0x38: {  	_ = 	snop  }
0x39: {  	[tilespmem:s16], [sflag:$0x1] =	stream.indirect_vreg.gather [hbm4b:s3+s2], $0x80, v3, vm0, $0xb8;
	[tilespmem:$0xC080] =	vst v63  }
0x3a: {  	_ = 	snop  }
0x3b: {  	[tilespmem:s17], [sflag:$0x1] =	stream.indirect_vreg.gather [hbm4b:s4+s2], $0x80, v3, vm0, $0xb8;
	[tilespmem:$0xC080] =	vst v63  }
0x3c: {  	_ = 	snop  }
0x3d: {  	[tilespmem:s18], [sflag:$0x1] =	stream.indirect_vreg.gather [hbm4b:s5+s2], $0x80, v3, vm0, $0xb8;
	[tilespmem:$0xC080] =	vst v63  }
0x3e: {  	v3 =	vld [tilespmem:$0x20];
	_ =	sdelay $0x4  }
0x3f: {  	v62 =	vshrl.u32 v3, $0x3  }
0x40: {  	v4 =	vmul.u32 $0x30, v62  }
0x41: {  	v3 =	vand.u32 $0x7, v3  }
0x42: {  	v3 =	vor.u32 v3, v4  }
0x43: {  	v4 =	vperm.xlane v3, v0;
	_ =	sdelay $0x1  }
0x44: {  	v4 =	vadd.s32 v1, v4;
	_ =	sdelay $0x3  }
0x45: {  	v3 =	vperm.xlane v3, v2  }
0x46: {  	[tilespmem:s19], [sflag:$0x1] =	stream.indirect_vreg.gather [hbm4b:s3+s2], $0x80, v4, vm0, $0xb8;
	[tilespmem:$0xC080] =	vst v63  }
0x47: {  	v3 =	vadd.s32 v1, v3  }
0x48: {  	[tilespmem:s20], [sflag:$0x1] =	stream.indirect_vreg.gather [hbm4b:s4+s2], $0x80, v4, vm0, $0xb8;
	[tilespmem:$0xC080] =	vst v63  }
0x49: {  	_ = 	snop  }
0x4a: {  	[tilespmem:s21], [sflag:$0x1] =	stream.indirect_vreg.gather [hbm4b:s5+s2], $0x80, v4, vm0, $0xb8;
	[tilespmem:$0xC080] =	vst v63  }
0x4b: {  	_ = 	snop  }
0x4c: {  	[tilespmem:s22], [sflag:$0x1] =	stream.indirect_vreg.gather [hbm4b:s3+s2], $0x80, v3, vm0, $0xb8;
	[tilespmem:$0xC080] =	vst v63  }
0x4d: {  	_ = 	snop  }
0x4e: {  	[tilespmem:s23], [sflag:$0x1] =	stream.indirect_vreg.gather [hbm4b:s4+s2], $0x80, v3, vm0, $0xb8;
	[tilespmem:$0xC080] =	vst v63  }
0x4f: {  	_ = 	snop  }
0x50: {  	[tilespmem:s24], [sflag:$0x1] =	stream.indirect_vreg.gather [hbm4b:s5+s2], $0x80, v3, vm0, $0xb8;
	[tilespmem:$0xC080] =	vst v63  }
0x51: {  	v3 =	vld [tilespmem:$0x30];
	_ =	sdelay $0x4  }
0x52: {  	v63 =	vshrl.u32 v3, $0x3  }
0x53: {  	v4 =	vmul.u32 $0x30, v63  }
0x54: {  	v3 =	vand.u32 $0x7, v3  }
0x55: {  	v3 =	vor.u32 v3, v4  }
0x56: {  	v4 =	vperm.xlane v3, v0;
	_ =	sdelay $0x1  }
0x57: {  	v4 =	vadd.s32 v1, v4;
	_ =	sdelay $0x3  }
0x58: {  	v3 =	vperm.xlane v3, v2  }
0x59: {  	[tilespmem:s25], [sflag:$0x1] =	stream.indirect_vreg.gather [hbm4b:s3+s2], $0x80, v4, vm0, $0xb8;
	[tilespmem:$0xC080] =	vst v63  }
0x5a: {  	v3 =	vadd.s32 v1, v3  }
0x5b: {  	[tilespmem:s26], [sflag:$0x1] =	stream.indirect_vreg.gather [hbm4b:s4+s2], $0x80, v4, vm0, $0xb8;
	[tilespmem:$0xC080] =	vst v63  }
0x5c: {  	_ = 	snop  }
0x5d: {  	[tilespmem:s28], [sflag:$0x1] =	stream.indirect_vreg.gather [hbm4b:s5+s2], $0x80, v4, vm0, $0xb8;
	[tilespmem:$0xC080] =	vst v63  }
0x5e: {  	_ = 	snop  }
0x5f: {  	[tilespmem:s29], [sflag:$0x1] =	stream.indirect_vreg.gather [hbm4b:s3+s2], $0x80, v3, vm0, $0xb8;
	[tilespmem:$0xC080] =	vst v63  }
0x60: {  	_ = 	snop  }
0x61: {  	[tilespmem:s30], [sflag:$0x1] =	stream.indirect_vreg.gather [hbm4b:s4+s2], $0x80, v3, vm0, $0xb8;
	[tilespmem:$0xC080] =	vst v63  }
0x62: {  	_ = 	snop  }
0x63: {  	[tilespmem:s31], [sflag:$0x1] =	stream.indirect_vreg.gather [hbm4b:s5+s2], $0x80, v3, vm0, $0xb8;
	[tilespmem:$0xC080] =	vst v63  }
0x64: {  	_ =	swait.ge [sflag:s0], $0xC000  }
0x65: {  	p0 =	sne.s32 s6, $0x1;
	[sflag:s0] =	ssyncset.done $0x0  }
.Ltmp0:
0x66: {  	s1 =	rddreg [dreg:$0x4];
	[sflag:s0] =	ssyncadd.s32 $0xFFFF4000;
	(pc) =	sbr.rel @p0 .LBB2_1-.Ltmp0, $4  }
0x67: {  	[hbm4b:s1+s2] =	stream.linear.scatter [tilespmem:s8], [sflag:$0x2], $0xC000, $0x38;
	[tilespmem:$0xC080] =	vst v63  }
0x68: {  	_ =	swait.ge [sflag:s7], $0xC000  }
0x69: {  	[sflag:s7] =	ssyncset.done $0x0  }
0x6a: {  	s6 =	sadd.s32 $0xFFFFFFFF, s6;
	[sflag:s7] =	ssyncadd.s32 $0xFFFF4000  }
0x6b: {  	_ =	sfence.sel $0x180000  }
0x6c: {  	[bflag:$0x0] =	sbarrier.arrive $0xFFFF  }
0x6d: {  	_ =	strace $0x9000004A  }
0x6e: {  	s0 =	stileid.u32;
	[bflag:$0x2] =	sbarrier.arrive $0xFFFF  }
0x6f: {  	p0 =	sne.s32 s0, $0x0;
	s0 =	rddreg [dreg:$0x2]  }
0x70: {  	s0 =	sadd.s32 @!p0 $0x100000, s0  }
0x71: {  	[sflag:s0] =	ssyncadd.tile.s32 @!p0 $0x1;
	_ =	shalt  }
.Lfunc_end2:
_tile_overlayer_lowered:
.L_overlay_start_2:
0x72: {  	(tag) =	ssettag $0x2  }
0x73: {  	s0 =	rddreg [dreg:$0x0];
	s2 =	stileid.u32  }
0x74: {  	s1 =	rddreg [dreg:$0x1];
	p0 =	sne.s32 s2, $0x0  }
0x75: {  	s3 =	rddreg [dreg:$0x2];
	[bflag:$0x3] =	sbarrier.arrive $0xFFFF;
	s2 =	simm.s32 @!p0 $0x1C02  }
0x76: {  	[timem:s3], [sflag:s2] =	dma.local @!p0 [hbm:s0], s1  }
0x77: {  	s0 =	simm.s32 @!p0 $0x2  }
0x78: {  	_ =	swait.ge @!p0 [sflag:s0], s1  }
0x79: {  	s1 =	ssub.s32 @!p0 $0x0, s1;
	[sflag:s0] =	ssyncset.done @!p0 $0x0  }
0x7a: {  	[sflag:s0] =	ssyncadd.s32 @!p0 s1  }
0x7b: {  	[bflag:$0x3] =	sbarrier.arrive $0xFFFF  }
0x7c: {  	_ =	shalt  }

</sc_bundles>
